<compile_context>
chip_gen: v7x
topology: tpu7x:2x2x1
jax: 0.10.2.dev20260603
libtpu: 0.0.44.dev20260713+nightly
codegen_flags: <defaults>
</compile_context>

<pallas_src>
import functools

import jax
import jax.numpy as jnp
from jax import lax
from jax.experimental import pallas as pl
from jax.experimental.pallas import tpu as pltpu
from jax.experimental.pallas import tpu_sc as plsc

N = 10000
E = 320000
NFEAT = 128
NHID = 64
NCLS = 64
KSTEPS = 10

FH = 32
NTILES = 16
NACC = 10240
NPT = NACC // NTILES
ECW = 512
EPT_ROWS = 40
EROWS = NTILES * EPT_ROWS
EPAD = EROWS * ECW
DEG_ROWS = EPAD // 128 // 32
TRASH = 10008

_MESH = plsc.VectorSubcoreMesh(core_axis_name="c", subcore_axis_name="s")


@functools.partial(
    pl.kernel,
    out_type=[
        jax.ShapeDtypeStruct((NACC, FH), jnp.float32),
        jax.ShapeDtypeStruct((NACC, FH), jnp.float32),
    ],
    mesh=_MESH,
    compiler_params=pltpu.CompilerParams(use_tc_tiling_on_sc=False),
    scratch_types=[
        pltpu.VMEM_SHARED((NACC, FH), jnp.float32),
        pltpu.VMEM((NPT, FH), jnp.float32),
        pltpu.VMEM((DEG_ROWS, 128), jnp.int32),
        pltpu.VMEM((128, FH), jnp.float32),
    ],
)
def _deg_kernel(dstr, zeros, ones, degl, degr, acc, zbuf, dstbuf, onesbuf):
    c = lax.axis_index("c")
    s = lax.axis_index("s")
    w = c * NTILES + s
    pltpu.sync_copy(zeros.at[pl.ds(s * NPT, NPT)], zbuf)
    pltpu.sync_copy(zbuf, acc.at[pl.ds(s * NPT, NPT)])
    pltpu.sync_copy(ones, onesbuf)
    pltpu.sync_copy(dstr.at[pl.ds(w * DEG_ROWS, DEG_ROWS)], dstbuf)
    plsc.subcore_barrier()

    def ej(j, carry):
        pltpu.sync_copy(onesbuf, acc.at[dstbuf.at[j]], add=True)
        return carry

    lax.fori_loop(0, DEG_ROWS, ej, 0)
    plsc.subcore_barrier()
    pltpu.sync_copy(acc.at[pl.ds(s * NPT, NPT)], zbuf)

    @pl.when(c == 0)
    def _():
        pltpu.sync_copy(zbuf, degl.at[pl.ds(s * NPT, NPT)])

    @pl.when(c == 1)
    def _():
        pltpu.sync_copy(zbuf, degr.at[pl.ds(s * NPT, NPT)])


def _mlp_body(x_ref, w1_ref, b1_ref, w2_ref, b2_ref, dl_ref, dr_ref,
              c9_ref, q0l_ref, q0r_ref, sd_ref):
    xb = x_ref[...]
    h1 = lax.dot_general(xb, w1_ref[...], (((1,), (1,)), ((), ())),
                         preferred_element_type=jnp.float32)
    h1 = jnp.maximum(h1 + b1_ref[...], 0.0)
    h0 = lax.dot_general(h1, w2_ref[...], (((1,), (1,)), ((), ())),
                         preferred_element_type=jnp.float32)
    h0 = h0 + b2_ref[...]
    deg = dl_ref[...] + dr_ref[...] + 1.0
    c9_ref[...] = 0.9 / deg
    dis = lax.rsqrt(deg)
    sd_ref[...] = deg * dis
    q0l_ref[...] = dis * h0[:, :FH]
    q0r_ref[...] = dis * h0[:, FH:]


def _run_mlp(x, W1, b1, W2, b2, degl, degr):
    blk = 1000
    grid = N // blk
    f32 = jnp.float32
    return pl.pallas_call(
        _mlp_body,
        grid=(grid,),
        in_specs=[
            pl.BlockSpec((blk, NFEAT), lambda i: (i, 0)),
            pl.BlockSpec((NHID, NFEAT), lambda i: (0, 0)),
            pl.BlockSpec((1, NHID), lambda i: (0, 0)),
            pl.BlockSpec((NCLS, NHID), lambda i: (0, 0)),
            pl.BlockSpec((1, NCLS), lambda i: (0, 0)),
            pl.BlockSpec((blk, FH), lambda i: (i, 0)),
            pl.BlockSpec((blk, FH), lambda i: (i, 0)),
        ],
        out_specs=[
            pl.BlockSpec((blk, FH), lambda i: (i, 0)),
            pl.BlockSpec((blk, FH), lambda i: (i, 0)),
            pl.BlockSpec((blk, FH), lambda i: (i, 0)),
            pl.BlockSpec((blk, FH), lambda i: (i, 0)),
        ],
        out_shape=[
            jax.ShapeDtypeStruct((N, FH), f32),
            jax.ShapeDtypeStruct((N, FH), f32),
            jax.ShapeDtypeStruct((N, FH), f32),
            jax.ShapeDtypeStruct((N, FH), f32),
        ],
    )(x, W1, b1.reshape(1, NHID), W2, b2.reshape(1, NCLS), degl, degr)


@functools.partial(
    pl.kernel,
    out_type=[
        jax.ShapeDtypeStruct((NACC, FH), jnp.float32),
        jax.ShapeDtypeStruct((NACC, FH), jnp.float32),
    ],
    mesh=_MESH,
    compiler_params=pltpu.CompilerParams(use_tc_tiling_on_sc=False),
    scratch_types=[
        pltpu.VMEM_SHARED((NACC, FH), jnp.float32),
        pltpu.VMEM((EPT_ROWS, ECW), jnp.int32),
        pltpu.VMEM((EPT_ROWS, ECW), jnp.int32),
        pltpu.VMEM((NPT, FH), jnp.float32),
        pltpu.VMEM((NPT, FH), jnp.float32),
        pltpu.VMEM((ECW, FH), jnp.float32),
        pltpu.VMEM((128, FH), jnp.float32),
        pltpu.SemaphoreType.DMA,
    ],
)
def _prop_kernel(srcr, dstr, c9, q0l, q0r, qlo, qro,
                 acc, srcbuf, dstbuf, qnew, cbuf,
                 rw0, rw2, sga):
    c = lax.axis_index("c")
    s = lax.axis_index("s")
    r0 = s * NPT
    pltpu.sync_copy(srcr.at[pl.ds(s * EPT_ROWS, EPT_ROWS)], srcbuf)
    pltpu.sync_copy(dstr.at[pl.ds(s * EPT_ROWS, EPT_ROWS)], dstbuf)
    pltpu.sync_copy(c9.at[pl.ds(r0, NPT)], cbuf)

    @pl.when(c == 0)
    def _():
        pltpu.sync_copy(q0l.at[pl.ds(r0, NPT)], qnew)

    @pl.when(c == 1)
    def _():
        pltpu.sync_copy(q0r.at[pl.ds(r0, NPT)], qnew)

    def run(qout, q0ref):
        def kbody(k, carry):
            pltpu.sync_copy(qnew, qout.at[pl.ds(r0, NPT)])
            pltpu.sync_copy(qnew, acc.at[pl.ds(r0, NPT)])
            plsc.subcore_barrier()

            def ej(j, icarry):
                pltpu.async_copy(qout.at[srcbuf.at[j]], rw0, sga).wait()
                pltpu.sync_copy(rw0, acc.at[dstbuf.at[j]], add=True)
                return icarry

            lax.fori_loop(0, EPT_ROWS, ej, 0)
            plsc.subcore_barrier()
            pltpu.sync_copy(acc.at[pl.ds(r0, NPT)], qnew)

            def cblk(bb, icarry):
                b0 = bb * 128
                pltpu.sync_copy(q0ref.at[pl.ds(r0 + b0, 128)], rw2)

                def cb(i, iicarry):
                    r = b0 + i
                    qnew[r, pl.ds(0, 16)] = (cbuf[r, pl.ds(0, 16)]
                                             * qnew[r, pl.ds(0, 16)]
                                             + rw2[i, pl.ds(0, 16)] * 0.1)
                    qnew[r, pl.ds(16, 16)] = (cbuf[r, pl.ds(16, 16)]
                                              * qnew[r, pl.ds(16, 16)]
                                              + rw2[i, pl.ds(16, 16)] * 0.1)
                    return iicarry

                lax.fori_loop(0, 128, cb, 0)
                return icarry

            lax.fori_loop(0, NPT // 128, cblk, 0)
            return carry

        lax.fori_loop(0, KSTEPS, kbody, 0)
        pltpu.sync_copy(qnew, qout.at[pl.ds(r0, NPT)])

    @pl.when(c == 0)
    def _():
        run(qlo, q0l)

    @pl.when(c == 1)
    def _():
        run(qro, q0r)


def _ls_body(q_ref, sd_ref, o_ref):
    sd = sd_ref[...]
    h = q_ref[...] * jnp.concatenate([sd, sd], axis=1)
    m = jnp.max(h, axis=1, keepdims=True)
    e = jnp.exp(h - m)
    o_ref[...] = (h - m) - jnp.log(jnp.sum(e, axis=1, keepdims=True))


def _run_log_softmax(q, sdeg):
    blk = 1000
    return pl.pallas_call(
        _ls_body,
        grid=(N // blk,),
        in_specs=[
            pl.BlockSpec((blk, NCLS), lambda i: (i, 0)),
            pl.BlockSpec((blk, FH), lambda i: (i, 0)),
        ],
        out_specs=pl.BlockSpec((blk, NCLS), lambda i: (i, 0)),
        out_shape=jax.ShapeDtypeStruct((N, NCLS), jnp.float32),
    )(q, sdeg)


def kernel(x, edge_index, W1, b1, W2, b2):
    src = edge_index[0].astype(jnp.int32)
    dst = edge_index[1].astype(jnp.int32)
    npad = EPAD - E
    src_p = jnp.concatenate([src, jnp.zeros((npad,), jnp.int32)]).reshape(EROWS, ECW)
    dst_flat = jnp.concatenate([dst, jnp.full((npad,), TRASH, jnp.int32)])
    dst_p = dst_flat.reshape(EROWS, ECW)
    dst_p128 = dst_flat.reshape(EPAD // 128, 128)
    zeros_a = jnp.zeros((NACC, FH), jnp.float32)
    ones_a = jnp.ones((128, FH), jnp.float32)

    degl, degr = _deg_kernel(dst_p128, zeros_a, ones_a)
    c9, q0l, q0r, sdeg = _run_mlp(x, W1, b1, W2, b2,
                                  degl[:N], degr[:N])
    pad = ((0, NACC - N), (0, 0))
    ql, qr = _prop_kernel(src_p, dst_p, jnp.pad(c9, pad),
                          jnp.pad(q0l, pad), jnp.pad(q0r, pad))
    q = jnp.concatenate([ql[:N], qr[:N]], axis=1)
    return _run_log_softmax(q, sdeg)

# --- scband reference (transcript-rebuilt; emitter-appended) ---
"""Pipeline reference for scband-appnp-33337536151792 (READ-ONLY COPY).

The authoritative reference and input builder live on the scoring server;
editing this copy changes nothing except your own understanding.
"""

import jax, jax.numpy as jnp
import numpy as np

N_NODES = 10000
N_EDGES = 320000
NFEAT = 128
HIDDEN = 64
NCLASS = 64
K = 10
ALPHA = 0.1


def setup_inputs(seed: int = 0) -> dict:
    key = jax.random.key(seed)
    k1, k2, k3, k4, k5, k6 = jax.random.split(key, 6)
    x = jax.random.normal(k1, (N_NODES, NFEAT), dtype=jnp.float32)
    edge_index = jax.random.randint(k2, (2, N_EDGES), 0, N_NODES, dtype=jnp.int64)
    # torch nn.Linear params: W [out, in], b [out]
    W1 = jax.random.normal(k3, (HIDDEN, NFEAT), dtype=jnp.float32) * (1.0 / np.sqrt(NFEAT))
    b1 = jax.random.normal(k4, (HIDDEN,), dtype=jnp.float32) * 0.01
    W2 = jax.random.normal(k5, (NCLASS, HIDDEN), dtype=jnp.float32) * (1.0 / np.sqrt(HIDDEN))
    b2 = jax.random.normal(k6, (NCLASS,), dtype=jnp.float32) * 0.01
    return {"x": x, "edge_index": edge_index, "W1": W1, "b1": b1, "W2": W2, "b2": b2}


def reference(x, edge_index, W1, b1, W2, b2):
    N = x.shape[0]
    # MLP head
    h = jax.nn.relu(x @ W1.T + b1)
    h = h @ W2.T + b2
    # gcn_norm with self-loops (PyG APPNP default)
    src = edge_index[0]
    dst = edge_index[1]
    loop = jnp.arange(N, dtype=src.dtype)
    src = jnp.concatenate([src, loop])
    dst = jnp.concatenate([dst, loop])
    w = jnp.ones(src.shape[0], dtype=h.dtype)
    deg = jnp.zeros((N,), dtype=h.dtype).at[dst].add(w)
    deg_inv_sqrt = jnp.where(deg > 0, 1.0 / jnp.sqrt(deg), 0.0)
    norm = deg_inv_sqrt[src] * deg_inv_sqrt[dst]
    # APPNP propagation: h_{k+1} = (1-alpha) * A_hat h_k + alpha * h_0
    h0 = h
    for _ in range(K):
        msg = norm[:, None] * h[src]
        agg = jnp.zeros_like(h).at[dst].add(msg)
        h = (1.0 - ALPHA) * agg + ALPHA * h0
    return jax.nn.log_softmax(h, axis=-1)

if __name__ == "__main__":
    import jax
    _d = setup_inputs()
    print(jax.jit(kernel)(*tuple(_d.values())))

</pallas_src>

<mosaic_0001>
#map = affine_map<(d0, d1) -> (0, 0)>
module attributes {stable_mosaic.version = 14 : i64} {
  func.func @_deg_kernel(%arg0: i32, %arg1: i32, %arg2: memref<2560x128xi32, #tpu.memory_space<hbm>>, %arg3: memref<10240x32xf32, #tpu.memory_space<hbm>>, %arg4: memref<128x32xf32, #tpu.memory_space<hbm>>, %arg5: memref<10240x32xf32, #tpu.memory_space<hbm>>, %arg6: memref<10240x32xf32, #tpu.memory_space<hbm>>, %arg7: memref<10240x32xf32, #tpu.memory_space<vmem_shared>>, %arg8: memref<640x32xf32, #tpu.memory_space<vmem>>, %arg9: memref<80x128xi32, #tpu.memory_space<vmem>>, %arg10: memref<128x32xf32, #tpu.memory_space<vmem>>) attributes {dimension_semantics = [#tpu.dimension_semantics<core_parallel>, #tpu.dimension_semantics<subcore_parallel>], iteration_bounds = array<i64: 2, 16>, scalar_prefetch = 0 : i64, scratch_operands = 4 : i64, tpu.core_type = #tpu.core_type<sc_vector_subcore>, window_params = [{transform_indices = #map}, {transform_indices = #map}, {transform_indices = #map}, {transform_indices = #map}, {transform_indices = #map}]} {
    %mul3A = arith.constant 16 : i32
    %mul3A_0 = arith.muli %arg0, %mul3A : i32
    %add3A = arith.addi %mul3A_0, %arg1 : i32
    %mul3A_1 = arith.constant 640 : i32
    %mul3A_2 = arith.muli %arg1, %mul3A_1 : i32
    "tpu.region"() ({
      %run_scoped3A = tpu.sem_alloc : memref<!tpu.dma_semaphore, #tpu.memory_space<semaphore_mem>>
      %dma_start3A = arith.constant 0 : i32
      %dma_start3A_22 = tpu.memref_slice %arg3[%mul3A_2, %dma_start3A] : memref<10240x32xf32, #tpu.memory_space<hbm>> -> memref<640x32xf32, #tpu.memory_space<hbm>>
      %dma_start3A_23 = arith.constant 0 : i32
      %dma_start3A_24 = tpu.memref_slice %arg3[%mul3A_2, %dma_start3A_23] : memref<10240x32xf32, #tpu.memory_space<hbm>> -> memref<640x32xf32, #tpu.memory_space<hbm>>
      tpu.enqueue_dma source(%dma_start3A_24 : memref<640x32xf32, #tpu.memory_space<hbm>>) target(%arg8 : memref<640x32xf32, #tpu.memory_space<vmem>>) target_semaphore(%run_scoped3A : memref<!tpu.dma_semaphore, #tpu.memory_space<semaphore_mem>>)
      %dma_wait3A = arith.constant 0 : i32
      %dma_wait3A_25 = tpu.memref_slice %arg3[%mul3A_2, %dma_wait3A] : memref<10240x32xf32, #tpu.memory_space<hbm>> -> memref<640x32xf32, #tpu.memory_space<hbm>>
      %dma_wait3A_26 = arith.constant 0 : i32
      %dma_wait3A_27 = tpu.memref_slice %arg3[%mul3A_2, %dma_wait3A_26] : memref<10240x32xf32, #tpu.memory_space<hbm>> -> memref<640x32xf32, #tpu.memory_space<hbm>>
      tpu.wait_dma2 semaphore(%run_scoped3A : memref<!tpu.dma_semaphore, #tpu.memory_space<semaphore_mem>>) src(%dma_wait3A_27 : memref<640x32xf32, #tpu.memory_space<hbm>>) dst(%arg8 : memref<640x32xf32, #tpu.memory_space<vmem>>)
      tpu.yield
    }) : () -> ()
    %mul3A_3 = arith.constant 640 : i32
    %mul3A_4 = arith.muli %arg1, %mul3A_3 : i32
    "tpu.region"() ({
      %run_scoped3A = tpu.sem_alloc : memref<!tpu.dma_semaphore, #tpu.memory_space<semaphore_mem>>
      %dma_start3A = arith.constant 0 : i32
      %dma_start3A_22 = tpu.memref_slice %arg7[%mul3A_4, %dma_start3A] : memref<10240x32xf32, #tpu.memory_space<vmem_shared>> -> memref<640x32xf32, #tpu.memory_space<vmem_shared>>
      %dma_start3A_23 = arith.constant 0 : i32
      %dma_start3A_24 = tpu.memref_slice %arg7[%mul3A_4, %dma_start3A_23] : memref<10240x32xf32, #tpu.memory_space<vmem_shared>> -> memref<640x32xf32, #tpu.memory_space<vmem_shared>>
      tpu.enqueue_dma source(%arg8 : memref<640x32xf32, #tpu.memory_space<vmem>>) target(%dma_start3A_24 : memref<640x32xf32, #tpu.memory_space<vmem_shared>>) target_semaphore(%run_scoped3A : memref<!tpu.dma_semaphore, #tpu.memory_space<semaphore_mem>>)
      %dma_wait3A = arith.constant 0 : i32
      %dma_wait3A_25 = tpu.memref_slice %arg7[%mul3A_4, %dma_wait3A] : memref<10240x32xf32, #tpu.memory_space<vmem_shared>> -> memref<640x32xf32, #tpu.memory_space<vmem_shared>>
      %dma_wait3A_26 = arith.constant 0 : i32
      %dma_wait3A_27 = tpu.memref_slice %arg7[%mul3A_4, %dma_wait3A_26] : memref<10240x32xf32, #tpu.memory_space<vmem_shared>> -> memref<640x32xf32, #tpu.memory_space<vmem_shared>>
      tpu.wait_dma2 semaphore(%run_scoped3A : memref<!tpu.dma_semaphore, #tpu.memory_space<semaphore_mem>>) src(%arg8 : memref<640x32xf32, #tpu.memory_space<vmem>>) dst(%dma_wait3A_27 : memref<640x32xf32, #tpu.memory_space<vmem_shared>>)
      tpu.yield
    }) : () -> ()
    "tpu.region"() ({
      %run_scoped3A = tpu.sem_alloc : memref<!tpu.dma_semaphore, #tpu.memory_space<semaphore_mem>>
      tpu.enqueue_dma source(%arg4 : memref<128x32xf32, #tpu.memory_space<hbm>>) target(%arg10 : memref<128x32xf32, #tpu.memory_space<vmem>>) target_semaphore(%run_scoped3A : memref<!tpu.dma_semaphore, #tpu.memory_space<semaphore_mem>>)
      tpu.wait_dma2 semaphore(%run_scoped3A : memref<!tpu.dma_semaphore, #tpu.memory_space<semaphore_mem>>) src(%arg4 : memref<128x32xf32, #tpu.memory_space<hbm>>) dst(%arg10 : memref<128x32xf32, #tpu.memory_space<vmem>>)
      tpu.yield
    }) : () -> ()
    %mul3A_5 = arith.constant 80 : i32
    %mul3A_6 = arith.muli %add3A, %mul3A_5 : i32
    "tpu.region"() ({
      %run_scoped3A = tpu.sem_alloc : memref<!tpu.dma_semaphore, #tpu.memory_space<semaphore_mem>>
      %dma_start3A = arith.constant 0 : i32
      %dma_start3A_22 = tpu.memref_slice %arg2[%mul3A_6, %dma_start3A] : memref<2560x128xi32, #tpu.memory_space<hbm>> -> memref<80x128xi32, #tpu.memory_space<hbm>>
      %dma_start3A_23 = arith.constant 0 : i32
      %dma_start3A_24 = tpu.memref_slice %arg2[%mul3A_6, %dma_start3A_23] : memref<2560x128xi32, #tpu.memory_space<hbm>> -> memref<80x128xi32, #tpu.memory_space<hbm>>
      tpu.enqueue_dma source(%dma_start3A_24 : memref<80x128xi32, #tpu.memory_space<hbm>>) target(%arg9 : memref<80x128xi32, #tpu.memory_space<vmem>>) target_semaphore(%run_scoped3A : memref<!tpu.dma_semaphore, #tpu.memory_space<semaphore_mem>>)
      %dma_wait3A = arith.constant 0 : i32
      %dma_wait3A_25 = tpu.memref_slice %arg2[%mul3A_6, %dma_wait3A] : memref<2560x128xi32, #tpu.memory_space<hbm>> -> memref<80x128xi32, #tpu.memory_space<hbm>>
      %dma_wait3A_26 = arith.constant 0 : i32
      %dma_wait3A_27 = tpu.memref_slice %arg2[%mul3A_6, %dma_wait3A_26] : memref<2560x128xi32, #tpu.memory_space<hbm>> -> memref<80x128xi32, #tpu.memory_space<hbm>>
      tpu.wait_dma2 semaphore(%run_scoped3A : memref<!tpu.dma_semaphore, #tpu.memory_space<semaphore_mem>>) src(%dma_wait3A_27 : memref<80x128xi32, #tpu.memory_space<hbm>>) dst(%arg9 : memref<80x128xi32, #tpu.memory_space<vmem>>)
      tpu.yield
    }) : () -> ()
    %barrier3A = arith.constant 0 : index
    tpu.barrier barrier_id(%barrier3A)
    %scan3A = arith.constant 0 : i32
    %scan3A_7 = arith.constant 0 : i32
    %scan3A_8 = arith.constant 80 : i32
    %scan3A_9 = arith.addi %scan3A_7, %scan3A_8 : i32
    %scan3A_10 = arith.constant 1 : i32
    scf.for %scan3A_22 = %scan3A_7 to %scan3A_9 step %scan3A_10  : i32 {
      "tpu.region"() ({
        %run_scoped3A = tpu.sem_alloc : memref<!tpu.dma_semaphore, #tpu.memory_space<semaphore_mem>>
        %dma_start3A = arith.constant 0 : i32
        %dma_start3A_23 = tpu.memref_slice %arg9[%scan3A_22, %dma_start3A] : memref<80x128xi32, #tpu.memory_space<vmem>> -> memref<1x128xi32, #tpu.memory_space<vmem>>
        %dma_start3A_24 = tpu.memref_squeeze %dma_start3A_23 : memref<1x128xi32, #tpu.memory_space<vmem>> -> memref<128xi32, #tpu.memory_space<vmem>>
        %dma_start3A_25 = arith.constant 0 : i32
        %dma_start3A_26 = arith.constant 0 : i32
        %dma_start3A_27 = tpu.memref_slice %arg7[%dma_start3A_25, %dma_start3A_26] : memref<10240x32xf32, #tpu.memory_space<vmem_shared>> -> memref<10240x32xf32, #tpu.memory_space<vmem_shared>>
        tpu.enqueue_indirect_dma source(%arg10 : memref<128x32xf32, #tpu.memory_space<vmem>>) target(%dma_start3A_27 : memref<10240x32xf32, #tpu.memory_space<vmem_shared>>) offsets(%dma_start3A_24 : memref<128xi32, #tpu.memory_space<vmem>>) semaphore(%run_scoped3A : memref<!tpu.dma_semaphore, #tpu.memory_space<semaphore_mem>>) {add = true}
        %dma_wait3A = arith.constant 0 : i32
        %dma_wait3A_28 = tpu.memref_slice %arg9[%scan3A_22, %dma_wait3A] : memref<80x128xi32, #tpu.memory_space<vmem>> -> memref<1x128xi32, #tpu.memory_space<vmem>>
        %dma_wait3A_29 = tpu.memref_squeeze %dma_wait3A_28 : memref<1x128xi32, #tpu.memory_space<vmem>> -> memref<128xi32, #tpu.memory_space<vmem>>
        %dma_wait3A_30 = arith.constant 0 : i32
        %dma_wait3A_31 = arith.constant 0 : i32
        %dma_wait3A_32 = tpu.memref_slice %arg7[%dma_wait3A_30, %dma_wait3A_31] : memref<10240x32xf32, #tpu.memory_space<vmem_shared>> -> memref<10240x32xf32, #tpu.memory_space<vmem_shared>>
        tpu.wait_indirect_dma semaphore(%run_scoped3A : memref<!tpu.dma_semaphore, #tpu.memory_space<semaphore_mem>>) src(%arg10 : memref<128x32xf32, #tpu.memory_space<vmem>>) dst(%dma_wait3A_32 : memref<10240x32xf32, #tpu.memory_space<vmem_shared>>)
        tpu.yield
      }) : () -> ()
    }
    %scan3A_11 = arith.constant 80 : i32
    %barrier3A_12 = arith.constant 0 : index
    tpu.barrier barrier_id(%barrier3A_12)
    %mul3A_13 = arith.constant 640 : i32
    %mul3A_14 = arith.muli %arg1, %mul3A_13 : i32
    "tpu.region"() ({
      %run_scoped3A = tpu.sem_alloc : memref<!tpu.dma_semaphore, #tpu.memory_space<semaphore_mem>>
      %dma_start3A = arith.constant 0 : i32
      %dma_start3A_22 = tpu.memref_slice %arg7[%mul3A_14, %dma_start3A] : memref<10240x32xf32, #tpu.memory_space<vmem_shared>> -> memref<640x32xf32, #tpu.memory_space<vmem_shared>>
      %dma_start3A_23 = arith.constant 0 : i32
      %dma_start3A_24 = tpu.memref_slice %arg7[%mul3A_14, %dma_start3A_23] : memref<10240x32xf32, #tpu.memory_space<vmem_shared>> -> memref<640x32xf32, #tpu.memory_space<vmem_shared>>
      tpu.enqueue_dma source(%dma_start3A_24 : memref<640x32xf32, #tpu.memory_space<vmem_shared>>) target(%arg8 : memref<640x32xf32, #tpu.memory_space<vmem>>) target_semaphore(%run_scoped3A : memref<!tpu.dma_semaphore, #tpu.memory_space<semaphore_mem>>)
      %dma_wait3A = arith.constant 0 : i32
      %dma_wait3A_25 = tpu.memref_slice %arg7[%mul3A_14, %dma_wait3A] : memref<10240x32xf32, #tpu.memory_space<vmem_shared>> -> memref<640x32xf32, #tpu.memory_space<vmem_shared>>
      %dma_wait3A_26 = arith.constant 0 : i32
      %dma_wait3A_27 = tpu.memref_slice %arg7[%mul3A_14, %dma_wait3A_26] : memref<10240x32xf32, #tpu.memory_space<vmem_shared>> -> memref<640x32xf32, #tpu.memory_space<vmem_shared>>
      tpu.wait_dma2 semaphore(%run_scoped3A : memref<!tpu.dma_semaphore, #tpu.memory_space<semaphore_mem>>) src(%dma_wait3A_27 : memref<640x32xf32, #tpu.memory_space<vmem_shared>>) dst(%arg8 : memref<640x32xf32, #tpu.memory_space<vmem>>)
      tpu.yield
    }) : () -> ()
    %eq3A = arith.constant 0 : i32
    %eq3A_15 = arith.cmpi eq, %arg0, %eq3A : i32
    %convert_element_type3A = arith.extui %eq3A_15 : i1 to i32
    %cond3A = arith.constant 0 : i32
    %cond3A_16 = arith.cmpi ne, %convert_element_type3A, %cond3A : i32
    scf.if %cond3A_16 {
      %mul3A_22 = arith.constant 640 : i32
      %mul3A_23 = arith.muli %arg1, %mul3A_22 : i32
      "tpu.region"() ({
        %run_scoped3A = tpu.sem_alloc : memref<!tpu.dma_semaphore, #tpu.memory_space<semaphore_mem>>
        %dma_start3A = arith.constant 0 : i32
        %dma_start3A_24 = tpu.memref_slice %arg5[%mul3A_23, %dma_start3A] : memref<10240x32xf32, #tpu.memory_space<hbm>> -> memref<640x32xf32, #tpu.memory_space<hbm>>
        %dma_start3A_25 = arith.constant 0 : i32
        %dma_start3A_26 = tpu.memref_slice %arg5[%mul3A_23, %dma_start3A_25] : memref<10240x32xf32, #tpu.memory_space<hbm>> -> memref<640x32xf32, #tpu.memory_space<hbm>>
        tpu.enqueue_dma source(%arg8 : memref<640x32xf32, #tpu.memory_space<vmem>>) target(%dma_start3A_26 : memref<640x32xf32, #tpu.memory_space<hbm>>) target_semaphore(%run_scoped3A : memref<!tpu.dma_semaphore, #tpu.memory_space<semaphore_mem>>)
        %dma_wait3A = arith.constant 0 : i32
        %dma_wait3A_27 = tpu.memref_slice %arg5[%mul3A_23, %dma_wait3A] : memref<10240x32xf32, #tpu.memory_space<hbm>> -> memref<640x32xf32, #tpu.memory_space<hbm>>
        %dma_wait3A_28 = arith.constant 0 : i32
        %dma_wait3A_29 = tpu.memref_slice %arg5[%mul3A_23, %dma_wait3A_28] : memref<10240x32xf32, #tpu.memory_space<hbm>> -> memref<640x32xf32, #tpu.memory_space<hbm>>
        tpu.wait_dma2 semaphore(%run_scoped3A : memref<!tpu.dma_semaphore, #tpu.memory_space<semaphore_mem>>) src(%arg8 : memref<640x32xf32, #tpu.memory_space<vmem>>) dst(%dma_wait3A_29 : memref<640x32xf32, #tpu.memory_space<hbm>>)
        tpu.yield
      }) : () -> ()
    } else {
    }
    %eq3A_17 = arith.constant 1 : i32
    %eq3A_18 = arith.cmpi eq, %arg0, %eq3A_17 : i32
    %convert_element_type3A_19 = arith.extui %eq3A_18 : i1 to i32
    %cond3A_20 = arith.constant 0 : i32
    %cond3A_21 = arith.cmpi ne, %convert_element_type3A_19, %cond3A_20 : i32
    scf.if %cond3A_21 {
      %mul3A_22 = arith.constant 640 : i32
      %mul3A_23 = arith.muli %arg1, %mul3A_22 : i32
      "tpu.region"() ({
        %run_scoped3A = tpu.sem_alloc : memref<!tpu.dma_semaphore, #tpu.memory_space<semaphore_mem>>
        %dma_start3A = arith.constant 0 : i32
        %dma_start3A_24 = tpu.memref_slice %arg6[%mul3A_23, %dma_start3A] : memref<10240x32xf32, #tpu.memory_space<hbm>> -> memref<640x32xf32, #tpu.memory_space<hbm>>
        %dma_start3A_25 = arith.constant 0 : i32
        %dma_start3A_26 = tpu.memref_slice %arg6[%mul3A_23, %dma_start3A_25] : memref<10240x32xf32, #tpu.memory_space<hbm>> -> memref<640x32xf32, #tpu.memory_space<hbm>>
        tpu.enqueue_dma source(%arg8 : memref<640x32xf32, #tpu.memory_space<vmem>>) target(%dma_start3A_26 : memref<640x32xf32, #tpu.memory_space<hbm>>) target_semaphore(%run_scoped3A : memref<!tpu.dma_semaphore, #tpu.memory_space<semaphore_mem>>)
        %dma_wait3A = arith.constant 0 : i32
        %dma_wait3A_27 = tpu.memref_slice %arg6[%mul3A_23, %dma_wait3A] : memref<10240x32xf32, #tpu.memory_space<hbm>> -> memref<640x32xf32, #tpu.memory_space<hbm>>
        %dma_wait3A_28 = arith.constant 0 : i32
        %dma_wait3A_29 = tpu.memref_slice %arg6[%mul3A_23, %dma_wait3A_28] : memref<10240x32xf32, #tpu.memory_space<hbm>> -> memref<640x32xf32, #tpu.memory_space<hbm>>
        tpu.wait_dma2 semaphore(%run_scoped3A : memref<!tpu.dma_semaphore, #tpu.memory_space<semaphore_mem>>) src(%arg8 : memref<640x32xf32, #tpu.memory_space<vmem>>) dst(%dma_wait3A_29 : memref<640x32xf32, #tpu.memory_space<hbm>>)
        tpu.yield
      }) : () -> ()
    } else {
    }
    return
  }
}

#map = affine_map<(d0, d1) -> (0, 0)>
module attributes {stable_mosaic.version = 14 : i64} {
  func.func @_prop_kernel(%arg0: i32, %arg1: i32, %arg2: memref<640x512xi32, #tpu.memory_space<hbm>>, %arg3: memref<640x512xi32, #tpu.memory_space<hbm>>, %arg4: memref<10240x32xf32, #tpu.memory_space<hbm>>, %arg5: memref<10240x32xf32, #tpu.memory_space<hbm>>, %arg6: memref<10240x32xf32, #tpu.memory_space<hbm>>, %arg7: memref<10240x32xf32, #tpu.memory_space<hbm>>, %arg8: memref<10240x32xf32, #tpu.memory_space<hbm>>, %arg9: memref<10240x32xf32, #tpu.memory_space<vmem_shared>>, %arg10: memref<40x512xi32, #tpu.memory_space<vmem>>, %arg11: memref<40x512xi32, #tpu.memory_space<vmem>>, %arg12: memref<640x32xf32, #tpu.memory_space<vmem>>, %arg13: memref<640x32xf32, #tpu.memory_space<vmem>>, %arg14: memref<512x32xf32, #tpu.memory_space<vmem>>, %arg15: memref<128x32xf32, #tpu.memory_space<vmem>>, %arg16: memref<!tpu.dma_semaphore, #tpu.memory_space<semaphore_mem>>) attributes {dimension_semantics = [#tpu.dimension_semantics<core_parallel>, #tpu.dimension_semantics<subcore_parallel>], iteration_bounds = array<i64: 2, 16>, scalar_prefetch = 0 : i64, scratch_operands = 8 : i64, tpu.core_type = #tpu.core_type<sc_vector_subcore>, window_params = [{transform_indices = #map}, {transform_indices = #map}, {transform_indices = #map}, {transform_indices = #map}, {transform_indices = #map}, {transform_indices = #map}, {transform_indices = #map}]} {
    %mul3A = arith.constant 640 : i32
    %mul3A_0 = arith.muli %arg1, %mul3A : i32
    %mul3A_1 = arith.constant 40 : i32
    %mul3A_2 = arith.muli %arg1, %mul3A_1 : i32
    "tpu.region"() ({
      %run_scoped3A = tpu.sem_alloc : memref<!tpu.dma_semaphore, #tpu.memory_space<semaphore_mem>>
      %dma_start3A = arith.constant 0 : i32
      %dma_start3A_22 = tpu.memref_slice %arg2[%mul3A_2, %dma_start3A] : memref<640x512xi32, #tpu.memory_space<hbm>> -> memref<40x512xi32, #tpu.memory_space<hbm>>
      %dma_start3A_23 = arith.constant 0 : i32
      %dma_start3A_24 = tpu.memref_slice %arg2[%mul3A_2, %dma_start3A_23] : memref<640x512xi32, #tpu.memory_space<hbm>> -> memref<40x512xi32, #tpu.memory_space<hbm>>
      tpu.enqueue_dma source(%dma_start3A_24 : memref<40x512xi32, #tpu.memory_space<hbm>>) target(%arg10 : memref<40x512xi32, #tpu.memory_space<vmem>>) target_semaphore(%run_scoped3A : memref<!tpu.dma_semaphore, #tpu.memory_space<semaphore_mem>>)
      %dma_wait3A = arith.constant 0 : i32
      %dma_wait3A_25 = tpu.memref_slice %arg2[%mul3A_2, %dma_wait3A] : memref<640x512xi32, #tpu.memory_space<hbm>> -> memref<40x512xi32, #tpu.memory_space<hbm>>
      %dma_wait3A_26 = arith.constant 0 : i32
      %dma_wait3A_27 = tpu.memref_slice %arg2[%mul3A_2, %dma_wait3A_26] : memref<640x512xi32, #tpu.memory_space<hbm>> -> memref<40x512xi32, #tpu.memory_space<hbm>>
      tpu.wait_dma2 semaphore(%run_scoped3A : memref<!tpu.dma_semaphore, #tpu.memory_space<semaphore_mem>>) src(%dma_wait3A_27 : memref<40x512xi32, #tpu.memory_space<hbm>>) dst(%arg10 : memref<40x512xi32, #tpu.memory_space<vmem>>)
      tpu.yield
    }) : () -> ()
    %mul3A_3 = arith.constant 40 : i32
    %mul3A_4 = arith.muli %arg1, %mul3A_3 : i32
    "tpu.region"() ({
      %run_scoped3A = tpu.sem_alloc : memref<!tpu.dma_semaphore, #tpu.memory_space<semaphore_mem>>
      %dma_start3A = arith.constant 0 : i32
      %dma_start3A_22 = tpu.memref_slice %arg3[%mul3A_4, %dma_start3A] : memref<640x512xi32, #tpu.memory_space<hbm>> -> memref<40x512xi32, #tpu.memory_space<hbm>>
      %dma_start3A_23 = arith.constant 0 : i32
      %dma_start3A_24 = tpu.memref_slice %arg3[%mul3A_4, %dma_start3A_23] : memref<640x512xi32, #tpu.memory_space<hbm>> -> memref<40x512xi32, #tpu.memory_space<hbm>>
      tpu.enqueue_dma source(%dma_start3A_24 : memref<40x512xi32, #tpu.memory_space<hbm>>) target(%arg11 : memref<40x512xi32, #tpu.memory_space<vmem>>) target_semaphore(%run_scoped3A : memref<!tpu.dma_semaphore, #tpu.memory_space<semaphore_mem>>)
      %dma_wait3A = arith.constant 0 : i32
      %dma_wait3A_25 = tpu.memref_slice %arg3[%mul3A_4, %dma_wait3A] : memref<640x512xi32, #tpu.memory_space<hbm>> -> memref<40x512xi32, #tpu.memory_space<hbm>>
      %dma_wait3A_26 = arith.constant 0 : i32
      %dma_wait3A_27 = tpu.memref_slice %arg3[%mul3A_4, %dma_wait3A_26] : memref<640x512xi32, #tpu.memory_space<hbm>> -> memref<40x512xi32, #tpu.memory_space<hbm>>
      tpu.wait_dma2 semaphore(%run_scoped3A : memref<!tpu.dma_semaphore, #tpu.memory_space<semaphore_mem>>) src(%dma_wait3A_27 : memref<40x512xi32, #tpu.memory_space<hbm>>) dst(%arg11 : memref<40x512xi32, #tpu.memory_space<vmem>>)
      tpu.yield
    }) : () -> ()
    "tpu.region"() ({
      %run_scoped3A = tpu.sem_alloc : memref<!tpu.dma_semaphore, #tpu.memory_space<semaphore_mem>>
      %dma_start3A = arith.constant 0 : i32
      %dma_start3A_22 = tpu.memref_slice %arg4[%mul3A_0, %dma_start3A] : memref<10240x32xf32, #tpu.memory_space<hbm>> -> memref<640x32xf32, #tpu.memory_space<hbm>>
      %dma_start3A_23 = arith.constant 0 : i32
      %dma_start3A_24 = tpu.memref_slice %arg4[%mul3A_0, %dma_start3A_23] : memref<10240x32xf32, #tpu.memory_space<hbm>> -> memref<640x32xf32, #tpu.memory_space<hbm>>
      tpu.enqueue_dma source(%dma_start3A_24 : memref<640x32xf32, #tpu.memory_space<hbm>>) target(%arg13 : memref<640x32xf32, #tpu.memory_space<vmem>>) target_semaphore(%run_scoped3A : memref<!tpu.dma_semaphore, #tpu.memory_space<semaphore_mem>>)
      %dma_wait3A = arith.constant 0 : i32
      %dma_wait3A_25 = tpu.memref_slice %arg4[%mul3A_0, %dma_wait3A] : memref<10240x32xf32, #tpu.memory_space<hbm>> -> memref<640x32xf32, #tpu.memory_space<hbm>>
      %dma_wait3A_26 = arith.constant 0 : i32
      %dma_wait3A_27 = tpu.memref_slice %arg4[%mul3A_0, %dma_wait3A_26] : memref<10240x32xf32, #tpu.memory_space<hbm>> -> memref<640x32xf32, #tpu.memory_space<hbm>>
      tpu.wait_dma2 semaphore(%run_scoped3A : memref<!tpu.dma_semaphore, #tpu.memory_space<semaphore_mem>>) src(%dma_wait3A_27 : memref<640x32xf32, #tpu.memory_space<hbm>>) dst(%arg13 : memref<640x32xf32, #tpu.memory_space<vmem>>)
      tpu.yield
    }) : () -> ()
    %eq3A = arith.constant 0 : i32
    %eq3A_5 = arith.cmpi eq, %arg0, %eq3A : i32
    %convert_element_type3A = arith.extui %eq3A_5 : i1 to i32
    %cond3A = arith.constant 0 : i32
    %cond3A_6 = arith.cmpi ne, %convert_element_type3A, %cond3A : i32
    scf.if %cond3A_6 {
      "tpu.region"() ({
        %run_scoped3A = tpu.sem_alloc : memref<!tpu.dma_semaphore, #tpu.memory_space<semaphore_mem>>
        %dma_start3A = arith.constant 0 : i32
        %dma_start3A_22 = tpu.memref_slice %arg5[%mul3A_0, %dma_start3A] : memref<10240x32xf32, #tpu.memory_space<hbm>> -> memref<640x32xf32, #tpu.memory_space<hbm>>
        %dma_start3A_23 = arith.constant 0 : i32
        %dma_start3A_24 = tpu.memref_slice %arg5[%mul3A_0, %dma_start3A_23] : memref<10240x32xf32, #tpu.memory_space<hbm>> -> memref<640x32xf32, #tpu.memory_space<hbm>>
        tpu.enqueue_dma source(%dma_start3A_24 : memref<640x32xf32, #tpu.memory_space<hbm>>) target(%arg12 : memref<640x32xf32, #tpu.memory_space<vmem>>) target_semaphore(%run_scoped3A : memref<!tpu.dma_semaphore, #tpu.memory_space<semaphore_mem>>)
        %dma_wait3A = arith.constant 0 : i32
        %dma_wait3A_25 = tpu.memref_slice %arg5[%mul3A_0, %dma_wait3A] : memref<10240x32xf32, #tpu.memory_space<hbm>> -> memref<640x32xf32, #tpu.memory_space<hbm>>
        %dma_wait3A_26 = arith.constant 0 : i32
        %dma_wait3A_27 = tpu.memref_slice %arg5[%mul3A_0, %dma_wait3A_26] : memref<10240x32xf32, #tpu.memory_space<hbm>> -> memref<640x32xf32, #tpu.memory_space<hbm>>
        tpu.wait_dma2 semaphore(%run_scoped3A : memref<!tpu.dma_semaphore, #tpu.memory_space<semaphore_mem>>) src(%dma_wait3A_27 : memref<640x32xf32, #tpu.memory_space<hbm>>) dst(%arg12 : memref<640x32xf32, #tpu.memory_space<vmem>>)
        tpu.yield
      }) : () -> ()
    } else {
    }
    %eq3A_7 = arith.constant 1 : i32
    %eq3A_8 = arith.cmpi eq, %arg0, %eq3A_7 : i32
    %convert_element_type3A_9 = arith.extui %eq3A_8 : i1 to i32
    %cond3A_10 = arith.constant 0 : i32
    %cond3A_11 = arith.cmpi ne, %convert_element_type3A_9, %cond3A_10 : i32
    scf.if %cond3A_11 {
      "tpu.region"() ({
        %run_scoped3A = tpu.sem_alloc : memref<!tpu.dma_semaphore, #tpu.memory_space<semaphore_mem>>
        %dma_start3A = arith.constant 0 : i32
        %dma_start3A_22 = tpu.memref_slice %arg6[%mul3A_0, %dma_start3A] : memref<10240x32xf32, #tpu.memory_space<hbm>> -> memref<640x32xf32, #tpu.memory_space<hbm>>
        %dma_start3A_23 = arith.constant 0 : i32
        %dma_start3A_24 = tpu.memref_slice %arg6[%mul3A_0, %dma_start3A_23] : memref<10240x32xf32, #tpu.memory_space<hbm>> -> memref<640x32xf32, #tpu.memory_space<hbm>>
        tpu.enqueue_dma source(%dma_start3A_24 : memref<640x32xf32, #tpu.memory_space<hbm>>) target(%arg12 : memref<640x32xf32, #tpu.memory_space<vmem>>) target_semaphore(%run_scoped3A : memref<!tpu.dma_semaphore, #tpu.memory_space<semaphore_mem>>)
        %dma_wait3A = arith.constant 0 : i32
        %dma_wait3A_25 = tpu.memref_slice %arg6[%mul3A_0, %dma_wait3A] : memref<10240x32xf32, #tpu.memory_space<hbm>> -> memref<640x32xf32, #tpu.memory_space<hbm>>
        %dma_wait3A_26 = arith.constant 0 : i32
        %dma_wait3A_27 = tpu.memref_slice %arg6[%mul3A_0, %dma_wait3A_26] : memref<10240x32xf32, #tpu.memory_space<hbm>> -> memref<640x32xf32, #tpu.memory_space<hbm>>
        tpu.wait_dma2 semaphore(%run_scoped3A : memref<!tpu.dma_semaphore, #tpu.memory_space<semaphore_mem>>) src(%dma_wait3A_27 : memref<640x32xf32, #tpu.memory_space<hbm>>) dst(%arg12 : memref<640x32xf32, #tpu.memory_space<vmem>>)
        tpu.yield
      }) : () -> ()
    } else {
    }
    %eq3A_12 = arith.constant 0 : i32
    %eq3A_13 = arith.cmpi eq, %arg0, %eq3A_12 : i32
    %convert_element_type3A_14 = arith.extui %eq3A_13 : i1 to i32
    %cond3A_15 = arith.constant 0 : i32
    %cond3A_16 = arith.cmpi ne, %convert_element_type3A_14, %cond3A_15 : i32
    scf.if %cond3A_16 {
      %scan3A = arith.constant 0 : i32
      %scan3A_22 = arith.constant 0 : i32
      %scan3A_23 = arith.constant 10 : i32
      %scan3A_24 = arith.addi %scan3A_22, %scan3A_23 : i32
      %scan3A_25 = arith.constant 1 : i32
      scf.for %scan3A_27 = %scan3A_22 to %scan3A_24 step %scan3A_25  : i32 {
        "tpu.region"() ({
          %run_scoped3A = tpu.sem_alloc : memref<!tpu.dma_semaphore, #tpu.memory_space<semaphore_mem>>
          %dma_start3A = arith.constant 0 : i32
          %dma_start3A_41 = tpu.memref_slice %arg7[%mul3A_0, %dma_start3A] : memref<10240x32xf32, #tpu.memory_space<hbm>> -> memref<640x32xf32, #tpu.memory_space<hbm>>
          %dma_start3A_42 = arith.constant 0 : i32
          %dma_start3A_43 = tpu.memref_slice %arg7[%mul3A_0, %dma_start3A_42] : memref<10240x32xf32, #tpu.memory_space<hbm>> -> memref<640x32xf32, #tpu.memory_space<hbm>>
          tpu.enqueue_dma source(%arg12 : memref<640x32xf32, #tpu.memory_space<vmem>>) target(%dma_start3A_43 : memref<640x32xf32, #tpu.memory_space<hbm>>) target_semaphore(%run_scoped3A : memref<!tpu.dma_semaphore, #tpu.memory_space<semaphore_mem>>)
          %dma_wait3A = arith.constant 0 : i32
          %dma_wait3A_44 = tpu.memref_slice %arg7[%mul3A_0, %dma_wait3A] : memref<10240x32xf32, #tpu.memory_space<hbm>> -> memref<640x32xf32, #tpu.memory_space<hbm>>
          %dma_wait3A_45 = arith.constant 0 : i32
          %dma_wait3A_46 = tpu.memref_slice %arg7[%mul3A_0, %dma_wait3A_45] : memref<10240x32xf32, #tpu.memory_space<hbm>> -> memref<640x32xf32, #tpu.memory_space<hbm>>
          tpu.wait_dma2 semaphore(%run_scoped3A : memref<!tpu.dma_semaphore, #tpu.memory_space<semaphore_mem>>) src(%arg12 : memref<640x32xf32, #tpu.memory_space<vmem>>) dst(%dma_wait3A_46 : memref<640x32xf32, #tpu.memory_space<hbm>>)
          tpu.yield
        }) : () -> ()
        "tpu.region"() ({
          %run_scoped3A = tpu.sem_alloc : memref<!tpu.dma_semaphore, #tpu.memory_space<semaphore_mem>>
          %dma_start3A = arith.constant 0 : i32
          %dma_start3A_41 = tpu.memref_slice %arg9[%mul3A_0, %dma_start3A] : memref<10240x32xf32, #tpu.memory_space<vmem_shared>> -> memref<640x32xf32, #tpu.memory_space<vmem_shared>>
          %dma_start3A_42 = arith.constant 0 : i32
          %dma_start3A_43 = tpu.memref_slice %arg9[%mul3A_0, %dma_start3A_42] : memref<10240x32xf32, #tpu.memory_space<vmem_shared>> -> memref<640x32xf32, #tpu.memory_space<vmem_shared>>
          tpu.enqueue_dma source(%arg12 : memref<640x32xf32, #tpu.memory_space<vmem>>) target(%dma_start3A_43 : memref<640x32xf32, #tpu.memory_space<vmem_shared>>) target_semaphore(%run_scoped3A : memref<!tpu.dma_semaphore, #tpu.memory_space<semaphore_mem>>)
          %dma_wait3A = arith.constant 0 : i32
          %dma_wait3A_44 = tpu.memref_slice %arg9[%mul3A_0, %dma_wait3A] : memref<10240x32xf32, #tpu.memory_space<vmem_shared>> -> memref<640x32xf32, #tpu.memory_space<vmem_shared>>
          %dma_wait3A_45 = arith.constant 0 : i32
          %dma_wait3A_46 = tpu.memref_slice %arg9[%mul3A_0, %dma_wait3A_45] : memref<10240x32xf32, #tpu.memory_space<vmem_shared>> -> memref<640x32xf32, #tpu.memory_space<vmem_shared>>
          tpu.wait_dma2 semaphore(%run_scoped3A : memref<!tpu.dma_semaphore, #tpu.memory_space<semaphore_mem>>) src(%arg12 : memref<640x32xf32, #tpu.memory_space<vmem>>) dst(%dma_wait3A_46 : memref<640x32xf32, #tpu.memory_space<vmem_shared>>)
          tpu.yield
        }) : () -> ()
        %barrier3A = arith.constant 0 : index
        tpu.barrier barrier_id(%barrier3A)
        %scan3A_28 = arith.constant 0 : i32
        %scan3A_29 = arith.constant 0 : i32
        %scan3A_30 = arith.constant 40 : i32
        %scan3A_31 = arith.addi %scan3A_29, %scan3A_30 : i32
        %scan3A_32 = arith.constant 1 : i32
        scf.for %scan3A_41 = %scan3A_29 to %scan3A_31 step %scan3A_32  : i32 {
          %dma_start3A = arith.constant 0 : i32
          %dma_start3A_42 = tpu.memref_slice %arg10[%scan3A_41, %dma_start3A] : memref<40x512xi32, #tpu.memory_space<vmem>> -> memref<1x512xi32, #tpu.memory_space<vmem>>
          %dma_start3A_43 = tpu.memref_squeeze %dma_start3A_42 : memref<1x512xi32, #tpu.memory_space<vmem>> -> memref<512xi32, #tpu.memory_space<vmem>>
          %dma_start3A_44 = arith.constant 0 : i32
          %dma_start3A_45 = arith.constant 0 : i32
          %dma_start3A_46 = tpu.memref_slice %arg7[%dma_start3A_44, %dma_start3A_45] : memref<10240x32xf32, #tpu.memory_space<hbm>> -> memref<10240x32xf32, #tpu.memory_space<hbm>>
          tpu.enqueue_indirect_dma source(%dma_start3A_46 : memref<10240x32xf32, #tpu.memory_space<hbm>>) target(%arg14 : memref<512x32xf32, #tpu.memory_space<vmem>>) offsets(%dma_start3A_43 : memref<512xi32, #tpu.memory_space<vmem>>) semaphore(%arg16 : memref<!tpu.dma_semaphore, #tpu.memory_space<semaphore_mem>>)
          %dma_wait3A = arith.constant 0 : i32
          %dma_wait3A_47 = tpu.memref_slice %arg10[%scan3A_41, %dma_wait3A] : memref<40x512xi32, #tpu.memory_space<vmem>> -> memref<1x512xi32, #tpu.memory_space<vmem>>
          %dma_wait3A_48 = tpu.memref_squeeze %dma_wait3A_47 : memref<1x512xi32, #tpu.memory_space<vmem>> -> memref<512xi32, #tpu.memory_space<vmem>>
          %dma_wait3A_49 = arith.constant 0 : i32
          %dma_wait3A_50 = arith.constant 0 : i32
          %dma_wait3A_51 = tpu.memref_slice %arg7[%dma_wait3A_49, %dma_wait3A_50] : memref<10240x32xf32, #tpu.memory_space<hbm>> -> memref<10240x32xf32, #tpu.memory_space<hbm>>
          tpu.wait_indirect_dma semaphore(%arg16 : memref<!tpu.dma_semaphore, #tpu.memory_space<semaphore_mem>>) src(%dma_wait3A_51 : memref<10240x32xf32, #tpu.memory_space<hbm>>) dst(%arg14 : memref<512x32xf32, #tpu.memory_space<vmem>>)
          "tpu.region"() ({
            %run_scoped3A = tpu.sem_alloc : memref<!tpu.dma_semaphore, #tpu.memory_space<semaphore_mem>>
            %dma_start3A_52 = arith.constant 0 : i32
            %dma_start3A_53 = tpu.memref_slice %arg11[%scan3A_41, %dma_start3A_52] : memref<40x512xi32, #tpu.memory_space<vmem>> -> memref<1x512xi32, #tpu.memory_space<vmem>>
            %dma_start3A_54 = tpu.memref_squeeze %dma_start3A_53 : memref<1x512xi32, #tpu.memory_space<vmem>> -> memref<512xi32, #tpu.memory_space<vmem>>
            %dma_start3A_55 = arith.constant 0 : i32
            %dma_start3A_56 = arith.constant 0 : i32
            %dma_start3A_57 = tpu.memref_slice %arg9[%dma_start3A_55, %dma_start3A_56] : memref<10240x32xf32, #tpu.memory_space<vmem_shared>> -> memref<10240x32xf32, #tpu.memory_space<vmem_shared>>
            tpu.enqueue_indirect_dma source(%arg14 : memref<512x32xf32, #tpu.memory_space<vmem>>) target(%dma_start3A_57 : memref<10240x32xf32, #tpu.memory_space<vmem_shared>>) offsets(%dma_start3A_54 : memref<512xi32, #tpu.memory_space<vmem>>) semaphore(%run_scoped3A : memref<!tpu.dma_semaphore, #tpu.memory_space<semaphore_mem>>) {add = true}
            %dma_wait3A_58 = arith.constant 0 : i32
            %dma_wait3A_59 = tpu.memref_slice %arg11[%scan3A_41, %dma_wait3A_58] : memref<40x512xi32, #tpu.memory_space<vmem>> -> memref<1x512xi32, #tpu.memory_space<vmem>>
            %dma_wait3A_60 = tpu.memref_squeeze %dma_wait3A_59 : memref<1x512xi32, #tpu.memory_space<vmem>> -> memref<512xi32, #tpu.memory_space<vmem>>
            %dma_wait3A_61 = arith.constant 0 : i32
            %dma_wait3A_62 = arith.constant 0 : i32
            %dma_wait3A_63 = tpu.memref_slice %arg9[%dma_wait3A_61, %dma_wait3A_62] : memref<10240x32xf32, #tpu.memory_space<vmem_shared>> -> memref<10240x32xf32, #tpu.memory_space<vmem_shared>>
            tpu.wait_indirect_dma semaphore(%run_scoped3A : memref<!tpu.dma_semaphore, #tpu.memory_space<semaphore_mem>>) src(%arg14 : memref<512x32xf32, #tpu.memory_space<vmem>>) dst(%dma_wait3A_63 : memref<10240x32xf32, #tpu.memory_space<vmem_shared>>)
            tpu.yield
          }) : () -> ()
        }
        %scan3A_33 = arith.constant 40 : i32
        %barrier3A_34 = arith.constant 0 : index
        tpu.barrier barrier_id(%barrier3A_34)
        "tpu.region"() ({
          %run_scoped3A = tpu.sem_alloc : memref<!tpu.dma_semaphore, #tpu.memory_space<semaphore_mem>>
          %dma_start3A = arith.constant 0 : i32
          %dma_start3A_41 = tpu.memref_slice %arg9[%mul3A_0, %dma_start3A] : memref<10240x32xf32, #tpu.memory_space<vmem_shared>> -> memref<640x32xf32, #tpu.memory_space<vmem_shared>>
          %dma_start3A_42 = arith.constant 0 : i32
          %dma_start3A_43 = tpu.memref_slice %arg9[%mul3A_0, %dma_start3A_42] : memref<10240x32xf32, #tpu.memory_space<vmem_shared>> -> memref<640x32xf32, #tpu.memory_space<vmem_shared>>
          tpu.enqueue_dma source(%dma_start3A_43 : memref<640x32xf32, #tpu.memory_space<vmem_shared>>) target(%arg12 : memref<640x32xf32, #tpu.memory_space<vmem>>) target_semaphore(%run_scoped3A : memref<!tpu.dma_semaphore, #tpu.memory_space<semaphore_mem>>)
          %dma_wait3A = arith.constant 0 : i32
          %dma_wait3A_44 = tpu.memref_slice %arg9[%mul3A_0, %dma_wait3A] : memref<10240x32xf32, #tpu.memory_space<vmem_shared>> -> memref<640x32xf32, #tpu.memory_space<vmem_shared>>
          %dma_wait3A_45 = arith.constant 0 : i32
          %dma_wait3A_46 = tpu.memref_slice %arg9[%mul3A_0, %dma_wait3A_45] : memref<10240x32xf32, #tpu.memory_space<vmem_shared>> -> memref<640x32xf32, #tpu.memory_space<vmem_shared>>
          tpu.wait_dma2 semaphore(%run_scoped3A : memref<!tpu.dma_semaphore, #tpu.memory_space<semaphore_mem>>) src(%dma_wait3A_46 : memref<640x32xf32, #tpu.memory_space<vmem_shared>>) dst(%arg12 : memref<640x32xf32, #tpu.memory_space<vmem>>)
          tpu.yield
        }) : () -> ()
        %scan3A_35 = arith.constant 0 : i32
        %scan3A_36 = arith.constant 0 : i32
        %scan3A_37 = arith.constant 5 : i32
        %scan3A_38 = arith.addi %scan3A_36, %scan3A_37 : i32
        %scan3A_39 = arith.constant 1 : i32
        scf.for %scan3A_41 = %scan3A_36 to %scan3A_38 step %scan3A_39  : i32 {
          %mul3A_42 = arith.constant 128 : i32
          %mul3A_43 = arith.muli %scan3A_41, %mul3A_42 : i32
          %add3A = arith.addi %mul3A_0, %mul3A_43 : i32
          "tpu.region"() ({
            %run_scoped3A = tpu.sem_alloc : memref<!tpu.dma_semaphore, #tpu.memory_space<semaphore_mem>>
            %dma_start3A = arith.constant 0 : i32
            %dma_start3A_50 = tpu.memref_slice %arg5[%add3A, %dma_start3A] : memref<10240x32xf32, #tpu.memory_space<hbm>> -> memref<128x32xf32, #tpu.memory_space<hbm>>
            %dma_start3A_51 = arith.constant 0 : i32
            %dma_start3A_52 = tpu.memref_slice %arg5[%add3A, %dma_start3A_51] : memref<10240x32xf32, #tpu.memory_space<hbm>> -> memref<128x32xf32, #tpu.memory_space<hbm>>
            tpu.enqueue_dma source(%dma_start3A_52 : memref<128x32xf32, #tpu.memory_space<hbm>>) target(%arg15 : memref<128x32xf32, #tpu.memory_space<vmem>>) target_semaphore(%run_scoped3A : memref<!tpu.dma_semaphore, #tpu.memory_space<semaphore_mem>>)
            %dma_wait3A = arith.constant 0 : i32
            %dma_wait3A_53 = tpu.memref_slice %arg5[%add3A, %dma_wait3A] : memref<10240x32xf32, #tpu.memory_space<hbm>> -> memref<128x32xf32, #tpu.memory_space<hbm>>
            %dma_wait3A_54 = arith.constant 0 : i32
            %dma_wait3A_55 = tpu.memref_slice %arg5[%add3A, %dma_wait3A_54] : memref<10240x32xf32, #tpu.memory_space<hbm>> -> memref<128x32xf32, #tpu.memory_space<hbm>>
            tpu.wait_dma2 semaphore(%run_scoped3A : memref<!tpu.dma_semaphore, #tpu.memory_space<semaphore_mem>>) src(%dma_wait3A_55 : memref<128x32xf32, #tpu.memory_space<hbm>>) dst(%arg15 : memref<128x32xf32, #tpu.memory_space<vmem>>)
            tpu.yield
          }) : () -> ()
          %scan3A_44 = arith.constant 0 : i32
          %scan3A_45 = arith.constant 0 : i32
          %scan3A_46 = arith.constant 128 : i32
          %scan3A_47 = arith.addi %scan3A_45, %scan3A_46 : i32
          %scan3A_48 = arith.constant 1 : i32
          scf.for %scan3A_50 = %scan3A_45 to %scan3A_47 step %scan3A_48  : i32 {
            %add3A_51 = arith.addi %mul3A_43, %scan3A_50 : i32
            %get3A = arith.index_cast %add3A_51 : i32 to index
            %get3A_52 = arith.constant 0 : index
            %get3A_53 = tpu.vector_load %arg13[%get3A, %get3A_52] {strides = array<i32>} : memref<640x32xf32, #tpu.memory_space<vmem>>, vector<1x16xf32>,
            %get3A_54 = vector.shape_cast %get3A_53 : vector<1x16xf32> to vector<16xf32>
            %get3A_55 = arith.index_cast %add3A_51 : i32 to index
            %get3A_56 = arith.constant 0 : index
            %get3A_57 = tpu.vector_load %arg12[%get3A_55, %get3A_56] {strides = array<i32>} : memref<640x32xf32, #tpu.memory_space<vmem>>, vector<1x16xf32>,
            %get3A_58 = vector.shape_cast %get3A_57 : vector<1x16xf32> to vector<16xf32>
            %mul3A_59 = arith.mulf %get3A_54, %get3A_58 : vector<16xf32>
            %get3A_60 = arith.index_cast %scan3A_50 : i32 to index
            %get3A_61 = arith.constant 0 : index
            %get3A_62 = tpu.vector_load %arg15[%get3A_60, %get3A_61] {strides = array<i32>} : memref<128x32xf32, #tpu.memory_space<vmem>>, vector<1x16xf32>,
            %get3A_63 = vector.shape_cast %get3A_62 : vector<1x16xf32> to vector<16xf32>
            %mul3A_64 = arith.constant 1.000000e-01 : f32
            %mul3A_65 = vector.broadcast %mul3A_64 : f32 to vector<16xf32>
            %mul3A_66 = arith.mulf %get3A_63, %mul3A_65 : vector<16xf32>
            %add3A_67 = arith.addf %mul3A_59, %mul3A_66 : vector<16xf32>
            %swap3A = arith.index_cast %add3A_51 : i32 to index
            %swap3A_68 = arith.constant 0 : index
            %swap3A_69 = tpu.vector_load %arg12[%swap3A, %swap3A_68] {strides = array<i32>} : memref<640x32xf32, #tpu.memory_space<vmem>>, vector<1x16xf32>,
            %swap3A_70 = vector.shape_cast %swap3A_69 : vector<1x16xf32> to vector<16xf32>
            %swap3A_71 = vector.shape_cast %add3A_67 : vector<16xf32> to vector<1x16xf32>
            tpu.vector_store %arg12[%swap3A, %swap3A_68], %swap3A_71 {strides = array<i32>} : memref<640x32xf32, #tpu.memory_space<vmem>>, vector<1x16xf32>,
            %get3A_72 = arith.index_cast %add3A_51 : i32 to index
            %get3A_73 = arith.constant 16 : index
            %get3A_74 = tpu.vector_load %arg13[%get3A_72, %get3A_73] {strides = array<i32>} : memref<640x32xf32, #tpu.memory_space<vmem>>, vector<1x16xf32>,
            %get3A_75 = vector.shape_cast %get3A_74 : vector<1x16xf32> to vector<16xf32>
            %get3A_76 = arith.index_cast %add3A_51 : i32 to index
            %get3A_77 = arith.constant 16 : index
            %get3A_78 = tpu.vector_load %arg12[%get3A_76, %get3A_77] {strides = array<i32>} : memref<640x32xf32, #tpu.memory_space<vmem>>, vector<1x16xf32>,
            %get3A_79 = vector.shape_cast %get3A_78 : vector<1x16xf32> to vector<16xf32>
            %mul3A_80 = arith.mulf %get3A_75, %get3A_79 : vector<16xf32>
            %get3A_81 = arith.index_cast %scan3A_50 : i32 to index
            %get3A_82 = arith.constant 16 : index
            %get3A_83 = tpu.vector_load %arg15[%get3A_81, %get3A_82] {strides = array<i32>} : memref<128x32xf32, #tpu.memory_space<vmem>>, vector<1x16xf32>,
            %get3A_84 = vector.shape_cast %get3A_83 : vector<1x16xf32> to vector<16xf32>
            %mul3A_85 = arith.constant 1.000000e-01 : f32
            %mul3A_86 = vector.broadcast %mul3A_85 : f32 to vector<16xf32>
            %mul3A_87 = arith.mulf %get3A_84, %mul3A_86 : vector<16xf32>
            %add3A_88 = arith.addf %mul3A_80, %mul3A_87 : vector<16xf32>
            %swap3A_89 = arith.index_cast %add3A_51 : i32 to index
            %swap3A_90 = arith.constant 16 : index
            %swap3A_91 = tpu.vector_load %arg12[%swap3A_89, %swap3A_90] {strides = array<i32>} : memref<640x32xf32, #tpu.memory_space<vmem>>, vector<1x16xf32>,
            %swap3A_92 = vector.shape_cast %swap3A_91 : vector<1x16xf32> to vector<16xf32>
            %swap3A_93 = vector.shape_cast %add3A_88 : vector<16xf32> to vector<1x16xf32>
            tpu.vector_store %arg12[%swap3A_89, %swap3A_90], %swap3A_93 {strides = array<i32>} : memref<640x32xf32, #tpu.memory_space<vmem>>, vector<1x16xf32>,
          }
          %scan3A_49 = arith.constant 128 : i32
        }
        %scan3A_40 = arith.constant 5 : i32
      }
      %scan3A_26 = arith.constant 10 : i32
      "tpu.region"() ({
        %run_scoped3A = tpu.sem_alloc : memref<!tpu.dma_semaphore, #tpu.memory_space<semaphore_mem>>
        %dma_start3A = arith.constant 0 : i32
        %dma_start3A_27 = tpu.memref_slice %arg7[%mul3A_0, %dma_start3A] : memref<10240x32xf32, #tpu.memory_space<hbm>> -> memref<640x32xf32, #tpu.memory_space<hbm>>
        %dma_start3A_28 = arith.constant 0 : i32
        %dma_start3A_29 = tpu.memref_slice %arg7[%mul3A_0, %dma_start3A_28] : memref<10240x32xf32, #tpu.memory_space<hbm>> -> memref<640x32xf32, #tpu.memory_space<hbm>>
        tpu.enqueue_dma source(%arg12 : memref<640x32xf32, #tpu.memory_space<vmem>>) target(%dma_start3A_29 : memref<640x32xf32, #tpu.memory_space<hbm>>) target_semaphore(%run_scoped3A : memref<!tpu.dma_semaphore, #tpu.memory_space<semaphore_mem>>)
        %dma_wait3A = arith.constant 0 : i32
        %dma_wait3A_30 = tpu.memref_slice %arg7[%mul3A_0, %dma_wait3A] : memref<10240x32xf32, #tpu.memory_space<hbm>> -> memref<640x32xf32, #tpu.memory_space<hbm>>
        %dma_wait3A_31 = arith.constant 0 : i32
        %dma_wait3A_32 = tpu.memref_slice %arg7[%mul3A_0, %dma_wait3A_31] : memref<10240x32xf32, #tpu.memory_space<hbm>> -> memref<640x32xf32, #tpu.memory_space<hbm>>
        tpu.wait_dma2 semaphore(%run_scoped3A : memref<!tpu.dma_semaphore, #tpu.memory_space<semaphore_mem>>) src(%arg12 : memref<640x32xf32, #tpu.memory_space<vmem>>) dst(%dma_wait3A_32 : memref<640x32xf32, #tpu.memory_space<hbm>>)
        tpu.yield
      }) : () -> ()
    } else {
    }
    %eq3A_17 = arith.constant 1 : i32
    %eq3A_18 = arith.cmpi eq, %arg0, %eq3A_17 : i32
    %convert_element_type3A_19 = arith.extui %eq3A_18 : i1 to i32
    %cond3A_20 = arith.constant 0 : i32
    %cond3A_21 = arith.cmpi ne, %convert_element_type3A_19, %cond3A_20 : i32
    scf.if %cond3A_21 {
      %scan3A = arith.constant 0 : i32
      %scan3A_22 = arith.constant 0 : i32
      %scan3A_23 = arith.constant 10 : i32
      %scan3A_24 = arith.addi %scan3A_22, %scan3A_23 : i32
      %scan3A_25 = arith.constant 1 : i32
      scf.for %scan3A_27 = %scan3A_22 to %scan3A_24 step %scan3A_25  : i32 {
        "tpu.region"() ({
          %run_scoped3A = tpu.sem_alloc : memref<!tpu.dma_semaphore, #tpu.memory_space<semaphore_mem>>
          %dma_start3A = arith.constant 0 : i32
          %dma_start3A_41 = tpu.memref_slice %arg8[%mul3A_0, %dma_start3A] : memref<10240x32xf32, #tpu.memory_space<hbm>> -> memref<640x32xf32, #tpu.memory_space<hbm>>
          %dma_start3A_42 = arith.constant 0 : i32
          %dma_start3A_43 = tpu.memref_slice %arg8[%mul3A_0, %dma_start3A_42] : memref<10240x32xf32, #tpu.memory_space<hbm>> -> memref<640x32xf32, #tpu.memory_space<hbm>>
          tpu.enqueue_dma source(%arg12 : memref<640x32xf32, #tpu.memory_space<vmem>>) target(%dma_start3A_43 : memref<640x32xf32, #tpu.memory_space<hbm>>) target_semaphore(%run_scoped3A : memref<!tpu.dma_semaphore, #tpu.memory_space<semaphore_mem>>)
          %dma_wait3A = arith.constant 0 : i32
          %dma_wait3A_44 = tpu.memref_slice %arg8[%mul3A_0, %dma_wait3A] : memref<10240x32xf32, #tpu.memory_space<hbm>> -> memref<640x32xf32, #tpu.memory_space<hbm>>
          %dma_wait3A_45 = arith.constant 0 : i32
          %dma_wait3A_46 = tpu.memref_slice %arg8[%mul3A_0, %dma_wait3A_45] : memref<10240x32xf32, #tpu.memory_space<hbm>> -> memref<640x32xf32, #tpu.memory_space<hbm>>
          tpu.wait_dma2 semaphore(%run_scoped3A : memref<!tpu.dma_semaphore, #tpu.memory_space<semaphore_mem>>) src(%arg12 : memref<640x32xf32, #tpu.memory_space<vmem>>) dst(%dma_wait3A_46 : memref<640x32xf32, #tpu.memory_space<hbm>>)
          tpu.yield
        }) : () -> ()
        "tpu.region"() ({
          %run_scoped3A = tpu.sem_alloc : memref<!tpu.dma_semaphore, #tpu.memory_space<semaphore_mem>>
          %dma_start3A = arith.constant 0 : i32
          %dma_start3A_41 = tpu.memref_slice %arg9[%mul3A_0, %dma_start3A] : memref<10240x32xf32, #tpu.memory_space<vmem_shared>> -> memref<640x32xf32, #tpu.memory_space<vmem_shared>>
          %dma_start3A_42 = arith.constant 0 : i32
          %dma_start3A_43 = tpu.memref_slice %arg9[%mul3A_0, %dma_start3A_42] : memref<10240x32xf32, #tpu.memory_space<vmem_shared>> -> memref<640x32xf32, #tpu.memory_space<vmem_shared>>
          tpu.enqueue_dma source(%arg12 : memref<640x32xf32, #tpu.memory_space<vmem>>) target(%dma_start3A_43 : memref<640x32xf32, #tpu.memory_space<vmem_shared>>) target_semaphore(%run_scoped3A : memref<!tpu.dma_semaphore, #tpu.memory_space<semaphore_mem>>)
          %dma_wait3A = arith.constant 0 : i32
          %dma_wait3A_44 = tpu.memref_slice %arg9[%mul3A_0, %dma_wait3A] : memref<10240x32xf32, #tpu.memory_space<vmem_shared>> -> memref<640x32xf32, #tpu.memory_space<vmem_shared>>
          %dma_wait3A_45 = arith.constant 0 : i32
          %dma_wait3A_46 = tpu.memref_slice %arg9[%mul3A_0, %dma_wait3A_45] : memref<10240x32xf32, #tpu.memory_space<vmem_shared>> -> memref<640x32xf32, #tpu.memory_space<vmem_shared>>
          tpu.wait_dma2 semaphore(%run_scoped3A : memref<!tpu.dma_semaphore, #tpu.memory_space<semaphore_mem>>) src(%arg12 : memref<640x32xf32, #tpu.memory_space<vmem>>) dst(%dma_wait3A_46 : memref<640x32xf32, #tpu.memory_space<vmem_shared>>)
          tpu.yield
        }) : () -> ()
        %barrier3A = arith.constant 0 : index
        tpu.barrier barrier_id(%barrier3A)
        %scan3A_28 = arith.constant 0 : i32
        %scan3A_29 = arith.constant 0 : i32
        %scan3A_30 = arith.constant 40 : i32
        %scan3A_31 = arith.addi %scan3A_29, %scan3A_30 : i32
        %scan3A_32 = arith.constant 1 : i32
        scf.for %scan3A_41 = %scan3A_29 to %scan3A_31 step %scan3A_32  : i32 {
          %dma_start3A = arith.constant 0 : i32
          %dma_start3A_42 = tpu.memref_slice %arg10[%scan3A_41, %dma_start3A] : memref<40x512xi32, #tpu.memory_space<vmem>> -> memref<1x512xi32, #tpu.memory_space<vmem>>
          %dma_start3A_43 = tpu.memref_squeeze %dma_start3A_42 : memref<1x512xi32, #tpu.memory_space<vmem>> -> memref<512xi32, #tpu.memory_space<vmem>>
          %dma_start3A_44 = arith.constant 0 : i32
          %dma_start3A_45 = arith.constant 0 : i32
          %dma_start3A_46 = tpu.memref_slice %arg8[%dma_start3A_44, %dma_start3A_45] : memref<10240x32xf32, #tpu.memory_space<hbm>> -> memref<10240x32xf32, #tpu.memory_space<hbm>>
          tpu.enqueue_indirect_dma source(%dma_start3A_46 : memref<10240x32xf32, #tpu.memory_space<hbm>>) target(%arg14 : memref<512x32xf32, #tpu.memory_space<vmem>>) offsets(%dma_start3A_43 : memref<512xi32, #tpu.memory_space<vmem>>) semaphore(%arg16 : memref<!tpu.dma_semaphore, #tpu.memory_space<semaphore_mem>>)
          %dma_wait3A = arith.constant 0 : i32
          %dma_wait3A_47 = tpu.memref_slice %arg10[%scan3A_41, %dma_wait3A] : memref<40x512xi32, #tpu.memory_space<vmem>> -> memref<1x512xi32, #tpu.memory_space<vmem>>
          %dma_wait3A_48 = tpu.memref_squeeze %dma_wait3A_47 : memref<1x512xi32, #tpu.memory_space<vmem>> -> memref<512xi32, #tpu.memory_space<vmem>>
          %dma_wait3A_49 = arith.constant 0 : i32
          %dma_wait3A_50 = arith.constant 0 : i32
          %dma_wait3A_51 = tpu.memref_slice %arg8[%dma_wait3A_49, %dma_wait3A_50] : memref<10240x32xf32, #tpu.memory_space<hbm>> -> memref<10240x32xf32, #tpu.memory_space<hbm>>
          tpu.wait_indirect_dma semaphore(%arg16 : memref<!tpu.dma_semaphore, #tpu.memory_space<semaphore_mem>>) src(%dma_wait3A_51 : memref<10240x32xf32, #tpu.memory_space<hbm>>) dst(%arg14 : memref<512x32xf32, #tpu.memory_space<vmem>>)
          "tpu.region"() ({
            %run_scoped3A = tpu.sem_alloc : memref<!tpu.dma_semaphore, #tpu.memory_space<semaphore_mem>>
            %dma_start3A_52 = arith.constant 0 : i32
            %dma_start3A_53 = tpu.memref_slice %arg11[%scan3A_41, %dma_start3A_52] : memref<40x512xi32, #tpu.memory_space<vmem>> -> memref<1x512xi32, #tpu.memory_space<vmem>>
            %dma_start3A_54 = tpu.memref_squeeze %dma_start3A_53 : memref<1x512xi32, #tpu.memory_space<vmem>> -> memref<512xi32, #tpu.memory_space<vmem>>
            %dma_start3A_55 = arith.constant 0 : i32
            %dma_start3A_56 = arith.constant 0 : i32
            %dma_start3A_57 = tpu.memref_slice %arg9[%dma_start3A_55, %dma_start3A_56] : memref<10240x32xf32, #tpu.memory_space<vmem_shared>> -> memref<10240x32xf32, #tpu.memory_space<vmem_shared>>
            tpu.enqueue_indirect_dma source(%arg14 : memref<512x32xf32, #tpu.memory_space<vmem>>) target(%dma_start3A_57 : memref<10240x32xf32, #tpu.memory_space<vmem_shared>>) offsets(%dma_start3A_54 : memref<512xi32, #tpu.memory_space<vmem>>) semaphore(%run_scoped3A : memref<!tpu.dma_semaphore, #tpu.memory_space<semaphore_mem>>) {add = true}
            %dma_wait3A_58 = arith.constant 0 : i32
            %dma_wait3A_59 = tpu.memref_slice %arg11[%scan3A_41, %dma_wait3A_58] : memref<40x512xi32, #tpu.memory_space<vmem>> -> memref<1x512xi32, #tpu.memory_space<vmem>>
            %dma_wait3A_60 = tpu.memref_squeeze %dma_wait3A_59 : memref<1x512xi32, #tpu.memory_space<vmem>> -> memref<512xi32, #tpu.memory_space<vmem>>
            %dma_wait3A_61 = arith.constant 0 : i32
            %dma_wait3A_62 = arith.constant 0 : i32
            %dma_wait3A_63 = tpu.memref_slice %arg9[%dma_wait3A_61, %dma_wait3A_62] : memref<10240x32xf32, #tpu.memory_space<vmem_shared>> -> memref<10240x32xf32, #tpu.memory_space<vmem_shared>>
            tpu.wait_indirect_dma semaphore(%run_scoped3A : memref<!tpu.dma_semaphore, #tpu.memory_space<semaphore_mem>>) src(%arg14 : memref<512x32xf32, #tpu.memory_space<vmem>>) dst(%dma_wait3A_63 : memref<10240x32xf32, #tpu.memory_space<vmem_shared>>)
            tpu.yield
          }) : () -> ()
        }
        %scan3A_33 = arith.constant 40 : i32
        %barrier3A_34 = arith.constant 0 : index
        tpu.barrier barrier_id(%barrier3A_34)
        "tpu.region"() ({
          %run_scoped3A = tpu.sem_alloc : memref<!tpu.dma_semaphore, #tpu.memory_space<semaphore_mem>>
          %dma_start3A = arith.constant 0 : i32
          %dma_start3A_41 = tpu.memref_slice %arg9[%mul3A_0, %dma_start3A] : memref<10240x32xf32, #tpu.memory_space<vmem_shared>> -> memref<640x32xf32, #tpu.memory_space<vmem_shared>>
          %dma_start3A_42 = arith.constant 0 : i32
          %dma_start3A_43 = tpu.memref_slice %arg9[%mul3A_0, %dma_start3A_42] : memref<10240x32xf32, #tpu.memory_space<vmem_shared>> -> memref<640x32xf32, #tpu.memory_space<vmem_shared>>
          tpu.enqueue_dma source(%dma_start3A_43 : memref<640x32xf32, #tpu.memory_space<vmem_shared>>) target(%arg12 : memref<640x32xf32, #tpu.memory_space<vmem>>) target_semaphore(%run_scoped3A : memref<!tpu.dma_semaphore, #tpu.memory_space<semaphore_mem>>)
          %dma_wait3A = arith.constant 0 : i32
          %dma_wait3A_44 = tpu.memref_slice %arg9[%mul3A_0, %dma_wait3A] : memref<10240x32xf32, #tpu.memory_space<vmem_shared>> -> memref<640x32xf32, #tpu.memory_space<vmem_shared>>
          %dma_wait3A_45 = arith.constant 0 : i32
          %dma_wait3A_46 = tpu.memref_slice %arg9[%mul3A_0, %dma_wait3A_45] : memref<10240x32xf32, #tpu.memory_space<vmem_shared>> -> memref<640x32xf32, #tpu.memory_space<vmem_shared>>
          tpu.wait_dma2 semaphore(%run_scoped3A : memref<!tpu.dma_semaphore, #tpu.memory_space<semaphore_mem>>) src(%dma_wait3A_46 : memref<640x32xf32, #tpu.memory_space<vmem_shared>>) dst(%arg12 : memref<640x32xf32, #tpu.memory_space<vmem>>)
          tpu.yield
        }) : () -> ()
        %scan3A_35 = arith.constant 0 : i32
        %scan3A_36 = arith.constant 0 : i32
        %scan3A_37 = arith.constant 5 : i32
        %scan3A_38 = arith.addi %scan3A_36, %scan3A_37 : i32
        %scan3A_39 = arith.constant 1 : i32
        scf.for %scan3A_41 = %scan3A_36 to %scan3A_38 step %scan3A_39  : i32 {
          %mul3A_42 = arith.constant 128 : i32
          %mul3A_43 = arith.muli %scan3A_41, %mul3A_42 : i32
          %add3A = arith.addi %mul3A_0, %mul3A_43 : i32
          "tpu.region"() ({
            %run_scoped3A = tpu.sem_alloc : memref<!tpu.dma_semaphore, #tpu.memory_space<semaphore_mem>>
            %dma_start3A = arith.constant 0 : i32
            %dma_start3A_50 = tpu.memref_slice %arg6[%add3A, %dma_start3A] : memref<10240x32xf32, #tpu.memory_space<hbm>> -> memref<128x32xf32, #tpu.memory_space<hbm>>
            %dma_start3A_51 = arith.constant 0 : i32
            %dma_start3A_52 = tpu.memref_slice %arg6[%add3A, %dma_start3A_51] : memref<10240x32xf32, #tpu.memory_space<hbm>> -> memref<128x32xf32, #tpu.memory_space<hbm>>
            tpu.enqueue_dma source(%dma_start3A_52 : memref<128x32xf32, #tpu.memory_space<hbm>>) target(%arg15 : memref<128x32xf32, #tpu.memory_space<vmem>>) target_semaphore(%run_scoped3A : memref<!tpu.dma_semaphore, #tpu.memory_space<semaphore_mem>>)
            %dma_wait3A = arith.constant 0 : i32
            %dma_wait3A_53 = tpu.memref_slice %arg6[%add3A, %dma_wait3A] : memref<10240x32xf32, #tpu.memory_space<hbm>> -> memref<128x32xf32, #tpu.memory_space<hbm>>
            %dma_wait3A_54 = arith.constant 0 : i32
            %dma_wait3A_55 = tpu.memref_slice %arg6[%add3A, %dma_wait3A_54] : memref<10240x32xf32, #tpu.memory_space<hbm>> -> memref<128x32xf32, #tpu.memory_space<hbm>>
            tpu.wait_dma2 semaphore(%run_scoped3A : memref<!tpu.dma_semaphore, #tpu.memory_space<semaphore_mem>>) src(%dma_wait3A_55 : memref<128x32xf32, #tpu.memory_space<hbm>>) dst(%arg15 : memref<128x32xf32, #tpu.memory_space<vmem>>)
            tpu.yield
          }) : () -> ()
          %scan3A_44 = arith.constant 0 : i32
          %scan3A_45 = arith.constant 0 : i32
          %scan3A_46 = arith.constant 128 : i32
          %scan3A_47 = arith.addi %scan3A_45, %scan3A_46 : i32
          %scan3A_48 = arith.constant 1 : i32
          scf.for %scan3A_50 = %scan3A_45 to %scan3A_47 step %scan3A_48  : i32 {
            %add3A_51 = arith.addi %mul3A_43, %scan3A_50 : i32
            %get3A = arith.index_cast %add3A_51 : i32 to index
            %get3A_52 = arith.constant 0 : index
            %get3A_53 = tpu.vector_load %arg13[%get3A, %get3A_52] {strides = array<i32>} : memref<640x32xf32, #tpu.memory_space<vmem>>, vector<1x16xf32>,
            %get3A_54 = vector.shape_cast %get3A_53 : vector<1x16xf32> to vector<16xf32>
            %get3A_55 = arith.index_cast %add3A_51 : i32 to index
            %get3A_56 = arith.constant 0 : index
            %get3A_57 = tpu.vector_load %arg12[%get3A_55, %get3A_56] {strides = array<i32>} : memref<640x32xf32, #tpu.memory_space<vmem>>, vector<1x16xf32>,
            %get3A_58 = vector.shape_cast %get3A_57 : vector<1x16xf32> to vector<16xf32>
            %mul3A_59 = arith.mulf %get3A_54, %get3A_58 : vector<16xf32>
            %get3A_60 = arith.index_cast %scan3A_50 : i32 to index
            %get3A_61 = arith.constant 0 : index
            %get3A_62 = tpu.vector_load %arg15[%get3A_60, %get3A_61] {strides = array<i32>} : memref<128x32xf32, #tpu.memory_space<vmem>>, vector<1x16xf32>,
            %get3A_63 = vector.shape_cast %get3A_62 : vector<1x16xf32> to vector<16xf32>
            %mul3A_64 = arith.constant 1.000000e-01 : f32
            %mul3A_65 = vector.broadcast %mul3A_64 : f32 to vector<16xf32>
            %mul3A_66 = arith.mulf %get3A_63, %mul3A_65 : vector<16xf32>
            %add3A_67 = arith.addf %mul3A_59, %mul3A_66 : vector<16xf32>
            %swap3A = arith.index_cast %add3A_51 : i32 to index
            %swap3A_68 = arith.constant 0 : index
            %swap3A_69 = tpu.vector_load %arg12[%swap3A, %swap3A_68] {strides = array<i32>} : memref<640x32xf32, #tpu.memory_space<vmem>>, vector<1x16xf32>,
            %swap3A_70 = vector.shape_cast %swap3A_69 : vector<1x16xf32> to vector<16xf32>
            %swap3A_71 = vector.shape_cast %add3A_67 : vector<16xf32> to vector<1x16xf32>
            tpu.vector_store %arg12[%swap3A, %swap3A_68], %swap3A_71 {strides = array<i32>} : memref<640x32xf32, #tpu.memory_space<vmem>>, vector<1x16xf32>,
            %get3A_72 = arith.index_cast %add3A_51 : i32 to index
            %get3A_73 = arith.constant 16 : index
            %get3A_74 = tpu.vector_load %arg13[%get3A_72, %get3A_73] {strides = array<i32>} : memref<640x32xf32, #tpu.memory_space<vmem>>, vector<1x16xf32>,
            %get3A_75 = vector.shape_cast %get3A_74 : vector<1x16xf32> to vector<16xf32>
            %get3A_76 = arith.index_cast %add3A_51 : i32 to index
            %get3A_77 = arith.constant 16 : index
            %get3A_78 = tpu.vector_load %arg12[%get3A_76, %get3A_77] {strides = array<i32>} : memref<640x32xf32, #tpu.memory_space<vmem>>, vector<1x16xf32>,
            %get3A_79 = vector.shape_cast %get3A_78 : vector<1x16xf32> to vector<16xf32>
            %mul3A_80 = arith.mulf %get3A_75, %get3A_79 : vector<16xf32>
            %get3A_81 = arith.index_cast %scan3A_50 : i32 to index
            %get3A_82 = arith.constant 16 : index
            %get3A_83 = tpu.vector_load %arg15[%get3A_81, %get3A_82] {strides = array<i32>} : memref<128x32xf32, #tpu.memory_space<vmem>>, vector<1x16xf32>,
            %get3A_84 = vector.shape_cast %get3A_83 : vector<1x16xf32> to vector<16xf32>
            %mul3A_85 = arith.constant 1.000000e-01 : f32
            %mul3A_86 = vector.broadcast %mul3A_85 : f32 to vector<16xf32>
            %mul3A_87 = arith.mulf %get3A_84, %mul3A_86 : vector<16xf32>
            %add3A_88 = arith.addf %mul3A_80, %mul3A_87 : vector<16xf32>
            %swap3A_89 = arith.index_cast %add3A_51 : i32 to index
            %swap3A_90 = arith.constant 16 : index
            %swap3A_91 = tpu.vector_load %arg12[%swap3A_89, %swap3A_90] {strides = array<i32>} : memref<640x32xf32, #tpu.memory_space<vmem>>, vector<1x16xf32>,
            %swap3A_92 = vector.shape_cast %swap3A_91 : vector<1x16xf32> to vector<16xf32>
            %swap3A_93 = vector.shape_cast %add3A_88 : vector<16xf32> to vector<1x16xf32>
            tpu.vector_store %arg12[%swap3A_89, %swap3A_90], %swap3A_93 {strides = array<i32>} : memref<640x32xf32, #tpu.memory_space<vmem>>, vector<1x16xf32>,
          }
          %scan3A_49 = arith.constant 128 : i32
        }
        %scan3A_40 = arith.constant 5 : i32
      }
      %scan3A_26 = arith.constant 10 : i32
      "tpu.region"() ({
        %run_scoped3A = tpu.sem_alloc : memref<!tpu.dma_semaphore, #tpu.memory_space<semaphore_mem>>
        %dma_start3A = arith.constant 0 : i32
        %dma_start3A_27 = tpu.memref_slice %arg8[%mul3A_0, %dma_start3A] : memref<10240x32xf32, #tpu.memory_space<hbm>> -> memref<640x32xf32, #tpu.memory_space<hbm>>
        %dma_start3A_28 = arith.constant 0 : i32
        %dma_start3A_29 = tpu.memref_slice %arg8[%mul3A_0, %dma_start3A_28] : memref<10240x32xf32, #tpu.memory_space<hbm>> -> memref<640x32xf32, #tpu.memory_space<hbm>>
        tpu.enqueue_dma source(%arg12 : memref<640x32xf32, #tpu.memory_space<vmem>>) target(%dma_start3A_29 : memref<640x32xf32, #tpu.memory_space<hbm>>) target_semaphore(%run_scoped3A : memref<!tpu.dma_semaphore, #tpu.memory_space<semaphore_mem>>)
        %dma_wait3A = arith.constant 0 : i32
        %dma_wait3A_30 = tpu.memref_slice %arg8[%mul3A_0, %dma_wait3A] : memref<10240x32xf32, #tpu.memory_space<hbm>> -> memref<640x32xf32, #tpu.memory_space<hbm>>
        %dma_wait3A_31 = arith.constant 0 : i32
        %dma_wait3A_32 = tpu.memref_slice %arg8[%mul3A_0, %dma_wait3A_31] : memref<10240x32xf32, #tpu.memory_space<hbm>> -> memref<640x32xf32, #tpu.memory_space<hbm>>
        tpu.wait_dma2 semaphore(%run_scoped3A : memref<!tpu.dma_semaphore, #tpu.memory_space<semaphore_mem>>) src(%arg12 : memref<640x32xf32, #tpu.memory_space<vmem>>) dst(%dma_wait3A_32 : memref<640x32xf32, #tpu.memory_space<hbm>>)
        tpu.yield
      }) : () -> ()
    } else {
    }
    return
  }
}

module attributes {stable_mosaic.version = 14 : i64} {
  func.func @_mlp_body(%arg0: i32, %arg1: memref<1000x128xf32, #tpu.memory_space<vmem>>, %arg2: memref<64x128xf32, #tpu.memory_space<vmem>>, %arg3: memref<1x64xf32, #tpu.memory_space<vmem>>, %arg4: memref<64x64xf32, #tpu.memory_space<vmem>>, %arg5: memref<1x64xf32, #tpu.memory_space<vmem>>, %arg6: memref<1000x32xf32, #tpu.memory_space<vmem>>, %arg7: memref<1000x32xf32, #tpu.memory_space<vmem>>, %arg8: memref<1000x32xf32, #tpu.memory_space<vmem>>, %arg9: memref<1000x32xf32, #tpu.memory_space<vmem>>, %arg10: memref<1000x32xf32, #tpu.memory_space<vmem>>, %arg11: memref<1000x32xf32, #tpu.memory_space<vmem>>) attributes {dimension_semantics = [#tpu.dimension_semantics<arbitrary>], iteration_bounds = array<i64: 10>, scalar_prefetch = 0 : i64, scratch_operands = 0 : i64, tpu.core_type = #tpu.core_type<tc>, window_params = [{transform_indices = @transform_0, window_bounds = array<i64: 1000, 128>}, {pipeline_mode = #tpu.pipeline_mode<synchronous>, transform_indices = @transform_1, window_bounds = array<i64: 64, 128>}, {pipeline_mode = #tpu.pipeline_mode<synchronous>, transform_indices = @transform_2, window_bounds = array<i64: 1, 64>}, {pipeline_mode = #tpu.pipeline_mode<synchronous>, transform_indices = @transform_3, window_bounds = array<i64: 64, 64>}, {pipeline_mode = #tpu.pipeline_mode<synchronous>, transform_indices = @transform_4, window_bounds = array<i64: 1, 64>}, {transform_indices = @transform_5, window_bounds = array<i64: 1000, 32>}, {transform_indices = @transform_6, window_bounds = array<i64: 1000, 32>}, {transform_indices = @transform_7, window_bounds = array<i64: 1000, 32>}, {transform_indices = @transform_8, window_bounds = array<i64: 1000, 32>}, {transform_indices = @transform_9, window_bounds = array<i64: 1000, 32>}, {transform_indices = @transform_10, window_bounds = array<i64: 1000, 32>}]} {
    %get3A = arith.constant 0 : index
    %get3A_0 = arith.constant 0 : index
    %get3A_1 = vector.load %arg1[%get3A, %get3A_0] : memref<1000x128xf32, #tpu.memory_space<vmem>>, vector<1000x128xf32>
    %get3A_2 = arith.constant 0 : index
    %get3A_3 = arith.constant 0 : index
    %get3A_4 = vector.load %arg2[%get3A_2, %get3A_3] : memref<64x128xf32, #tpu.memory_space<vmem>>, vector<64x128xf32>
    %dot_general3A = arith.constant dense<0.000000e+00> : vector<1000x64xf32>
    %dot_general3A_5 = tpu.matmul %get3A_1, %get3A_4, %dot_general3A {dimension_numbers = #tpu.dot_dimension_numbers<[1], [1], [0], [0], [0, 0, 1, 0], [], []>, transpose_lhs_hint = false} : vector<1000x128xf32>, vector<64x128xf32>, vector<1000x64xf32> -> vector<1000x64xf32>
    %get3A_6 = arith.constant 0 : index
    %get3A_7 = arith.constant 0 : index
    %get3A_8 = vector.load %arg3[%get3A_6, %get3A_7] : memref<1x64xf32, #tpu.memory_space<vmem>>, vector<1x64xf32>
    %add3A = vector.broadcast %get3A_8 : vector<1x64xf32> to vector<1000x64xf32>
    %add3A_9 = arith.addf %dot_general3A_5, %add3A : vector<1000x64xf32>
    %max3A = arith.constant 0.000000e+00 : f32
    %max3A_10 = vector.broadcast %max3A : f32 to vector<1000x64xf32>
    %max3A_11 = arith.maximumf %add3A_9, %max3A_10 : vector<1000x64xf32>
    %get3A_12 = arith.constant 0 : index
    %get3A_13 = arith.constant 0 : index
    %get3A_14 = vector.load %arg4[%get3A_12, %get3A_13] : memref<64x64xf32, #tpu.memory_space<vmem>>, vector<64x64xf32>
    %dot_general3A_15 = arith.constant dense<0.000000e+00> : vector<1000x64xf32>
    %dot_general3A_16 = tpu.matmul %max3A_11, %get3A_14, %dot_general3A_15 {dimension_numbers = #tpu.dot_dimension_numbers<[1], [1], [0], [0], [0, 0, 1, 0], [], []>, transpose_lhs_hint = false} : vector<1000x64xf32>, vector<64x64xf32>, vector<1000x64xf32> -> vector<1000x64xf32>
    %get3A_17 = arith.constant 0 : index
    %get3A_18 = arith.constant 0 : index
    %get3A_19 = vector.load %arg5[%get3A_17, %get3A_18] : memref<1x64xf32, #tpu.memory_space<vmem>>, vector<1x64xf32>
    %add3A_20 = vector.broadcast %get3A_19 : vector<1x64xf32> to vector<1000x64xf32>
    %add3A_21 = arith.addf %dot_general3A_16, %add3A_20 : vector<1000x64xf32>
    %get3A_22 = arith.constant 0 : index
    %get3A_23 = arith.constant 0 : index
    %get3A_24 = vector.load %arg6[%get3A_22, %get3A_23] : memref<1000x32xf32, #tpu.memory_space<vmem>>, vector<1000x32xf32>
    %get3A_25 = arith.constant 0 : index
    %get3A_26 = arith.constant 0 : index
    %get3A_27 = vector.load %arg7[%get3A_25, %get3A_26] : memref<1000x32xf32, #tpu.memory_space<vmem>>, vector<1000x32xf32>
    %add3A_28 = arith.addf %get3A_24, %get3A_27 : vector<1000x32xf32>
    %add3A_29 = arith.constant 1.000000e+00 : f32
    %add3A_30 = vector.broadcast %add3A_29 : f32 to vector<1000x32xf32>
    %add3A_31 = arith.addf %add3A_28, %add3A_30 : vector<1000x32xf32>
    %div3A = arith.constant 0.899999976 : f32
    %div3A_32 = vector.broadcast %div3A : f32 to vector<1000x32xf32>
    %div3A_33 = arith.divf %div3A_32, %add3A_31 : vector<1000x32xf32>
    %swap3A = arith.constant 0 : index
    %swap3A_34 = arith.constant 0 : index
    %swap3A_35 = vector.load %arg8[%swap3A, %swap3A_34] : memref<1000x32xf32, #tpu.memory_space<vmem>>, vector<1000x32xf32>
    tpu.vector_store %arg8[%swap3A, %swap3A_34], %div3A_33 {strides = array<i32>} : memref<1000x32xf32, #tpu.memory_space<vmem>>, vector<1000x32xf32>,
    %rsqrt3A = math.rsqrt %add3A_31 : vector<1000x32xf32>
    %mul3A = arith.mulf %add3A_31, %rsqrt3A : vector<1000x32xf32>
    %swap3A_36 = arith.constant 0 : index
    %swap3A_37 = arith.constant 0 : index
    %swap3A_38 = vector.load %arg11[%swap3A_36, %swap3A_37] : memref<1000x32xf32, #tpu.memory_space<vmem>>, vector<1000x32xf32>
    tpu.vector_store %arg11[%swap3A_36, %swap3A_37], %mul3A {strides = array<i32>} : memref<1000x32xf32, #tpu.memory_space<vmem>>, vector<1000x32xf32>,
    %slice3A = vector.extract_strided_slice %add3A_21 {offsets = [0, 0], sizes = [1000, 32], strides = [1, 1]} : vector<1000x64xf32> to vector<1000x32xf32>
    %mul3A_39 = arith.mulf %rsqrt3A, %slice3A : vector<1000x32xf32>
    %swap3A_40 = arith.constant 0 : index
    %swap3A_41 = arith.constant 0 : index
    %swap3A_42 = vector.load %arg9[%swap3A_40, %swap3A_41] : memref<1000x32xf32, #tpu.memory_space<vmem>>, vector<1000x32xf32>
    tpu.vector_store %arg9[%swap3A_40, %swap3A_41], %mul3A_39 {strides = array<i32>} : memref<1000x32xf32, #tpu.memory_space<vmem>>, vector<1000x32xf32>,
    %slice3A_43 = vector.extract_strided_slice %add3A_21 {offsets = [0, 32], sizes = [1000, 32], strides = [1, 1]} : vector<1000x64xf32> to vector<1000x32xf32>
    %mul3A_44 = arith.mulf %rsqrt3A, %slice3A_43 : vector<1000x32xf32>
    %swap3A_45 = arith.constant 0 : index
    %swap3A_46 = arith.constant 0 : index
    %swap3A_47 = vector.load %arg10[%swap3A_45, %swap3A_46] : memref<1000x32xf32, #tpu.memory_space<vmem>>, vector<1000x32xf32>
    tpu.vector_store %arg10[%swap3A_45, %swap3A_46], %mul3A_44 {strides = array<i32>} : memref<1000x32xf32, #tpu.memory_space<vmem>>, vector<1000x32xf32>,
    return
  }
  func.func @transform_0(%arg0: i32) -> (i32, i32) {
    %c0_i32 = arith.constant 0 : i32
    %c0_i32_0 = arith.constant 0 : i32
    return %arg0, %c0_i32 : i32, i32
  }
  func.func @transform_1(%arg0: i32) -> (i32, i32) {
    %c0_i32 = arith.constant 0 : i32
    %c0_i32_0 = arith.constant 0 : i32
    %c0_i32_1 = arith.constant 0 : i32
    return %c0_i32, %c0_i32_0 : i32, i32
  }
  func.func @transform_2(%arg0: i32) -> (i32, i32) {
    %c0_i32 = arith.constant 0 : i32
    %c0_i32_0 = arith.constant 0 : i32
    %c0_i32_1 = arith.constant 0 : i32
    return %c0_i32, %c0_i32_0 : i32, i32
  }
  func.func @transform_3(%arg0: i32) -> (i32, i32) {
    %c0_i32 = arith.constant 0 : i32
    %c0_i32_0 = arith.constant 0 : i32
    %c0_i32_1 = arith.constant 0 : i32
    return %c0_i32, %c0_i32_0 : i32, i32
  }
  func.func @transform_4(%arg0: i32) -> (i32, i32) {
    %c0_i32 = arith.constant 0 : i32
    %c0_i32_0 = arith.constant 0 : i32
    %c0_i32_1 = arith.constant 0 : i32
    return %c0_i32, %c0_i32_0 : i32, i32
  }
  func.func @transform_5(%arg0: i32) -> (i32, i32) {
    %c0_i32 = arith.constant 0 : i32
    %c0_i32_0 = arith.constant 0 : i32
    return %arg0, %c0_i32 : i32, i32
  }
  func.func @transform_6(%arg0: i32) -> (i32, i32) {
    %c0_i32 = arith.constant 0 : i32
    %c0_i32_0 = arith.constant 0 : i32
    return %arg0, %c0_i32 : i32, i32
  }
  func.func @transform_7(%arg0: i32) -> (i32, i32) {
    %c0_i32 = arith.constant 0 : i32
    %c0_i32_0 = arith.constant 0 : i32
    return %arg0, %c0_i32 : i32, i32
  }
  func.func @transform_8(%arg0: i32) -> (i32, i32) {
    %c0_i32 = arith.constant 0 : i32
    %c0_i32_0 = arith.constant 0 : i32
    return %arg0, %c0_i32 : i32, i32
  }
  func.func @transform_9(%arg0: i32) -> (i32, i32) {
    %c0_i32 = arith.constant 0 : i32
    %c0_i32_0 = arith.constant 0 : i32
    return %arg0, %c0_i32 : i32, i32
  }
  func.func @transform_10(%arg0: i32) -> (i32, i32) {
    %c0_i32 = arith.constant 0 : i32
    %c0_i32_0 = arith.constant 0 : i32
    return %arg0, %c0_i32 : i32, i32
  }
}

module attributes {stable_mosaic.version = 14 : i64} {
  func.func @_ls_body(%arg0: i32, %arg1: memref<1000x64xf32, #tpu.memory_space<vmem>>, %arg2: memref<1000x32xf32, #tpu.memory_space<vmem>>, %arg3: memref<1000x64xf32, #tpu.memory_space<vmem>>) attributes {dimension_semantics = [#tpu.dimension_semantics<arbitrary>], iteration_bounds = array<i64: 10>, scalar_prefetch = 0 : i64, scratch_operands = 0 : i64, tpu.core_type = #tpu.core_type<tc>, window_params = [{transform_indices = @transform_0, window_bounds = array<i64: 1000, 64>}, {transform_indices = @transform_1, window_bounds = array<i64: 1000, 32>}, {transform_indices = @transform_2, window_bounds = array<i64: 1000, 64>}]} {
    %get3A = arith.constant 0 : index
    %get3A_0 = arith.constant 0 : index
    %get3A_1 = vector.load %arg2[%get3A, %get3A_0] : memref<1000x32xf32, #tpu.memory_space<vmem>>, vector<1000x32xf32>
    %get3A_2 = arith.constant 0 : index
    %get3A_3 = arith.constant 0 : index
    %get3A_4 = vector.load %arg1[%get3A_2, %get3A_3] : memref<1000x64xf32, #tpu.memory_space<vmem>>, vector<1000x64xf32>
    %concatenate3A = tpu.concatenate %get3A_1, %get3A_1 in 1 : vector<1000x32xf32>, vector<1000x32xf32> -> vector<1000x64xf32>
    %mul3A = arith.mulf %get3A_4, %concatenate3A : vector<1000x64xf32>
    %reduce_max3A = arith.constant dense<0xFF800000> : vector<1000xf32>
    %reduce_max3A_5 = vector.multi_reduction <maximumf>, %mul3A, %reduce_max3A [1] : vector<1000x64xf32> to vector<1000xf32>
    %broadcast_in_dim3A = vector.shape_cast %reduce_max3A_5 : vector<1000xf32> to vector<1000x1xf32>
    %sub3A = vector.broadcast %broadcast_in_dim3A : vector<1000x1xf32> to vector<1000x64xf32>
    %sub3A_6 = arith.subf %mul3A, %sub3A : vector<1000x64xf32>
    %exp3A = math.exp %sub3A_6 : vector<1000x64xf32>
    %sub3A_7 = vector.broadcast %broadcast_in_dim3A : vector<1000x1xf32> to vector<1000x64xf32>
    %sub3A_8 = arith.subf %mul3A, %sub3A_7 : vector<1000x64xf32>
    %reduce_sum3A = arith.constant dense<0.000000e+00> : vector<1000xf32>
    %reduce_sum3A_9 = vector.multi_reduction <add>, %exp3A, %reduce_sum3A [1] : vector<1000x64xf32> to vector<1000xf32>
    %broadcast_in_dim3A_10 = vector.shape_cast %reduce_sum3A_9 : vector<1000xf32> to vector<1000x1xf32>
    %log3A = math.log %broadcast_in_dim3A_10 : vector<1000x1xf32>
    %sub3A_11 = vector.broadcast %log3A : vector<1000x1xf32> to vector<1000x64xf32>
    %sub3A_12 = arith.subf %sub3A_8, %sub3A_11 : vector<1000x64xf32>
    %swap3A = arith.constant 0 : index
    %swap3A_13 = arith.constant 0 : index
    %swap3A_14 = vector.load %arg3[%swap3A, %swap3A_13] : memref<1000x64xf32, #tpu.memory_space<vmem>>, vector<1000x64xf32>
    tpu.vector_store %arg3[%swap3A, %swap3A_13], %sub3A_12 {strides = array<i32>} : memref<1000x64xf32, #tpu.memory_space<vmem>>, vector<1000x64xf32>,
    return
  }
  func.func @transform_0(%arg0: i32) -> (i32, i32) {
    %c0_i32 = arith.constant 0 : i32
    %c0_i32_0 = arith.constant 0 : i32
    return %arg0, %c0_i32 : i32, i32
  }
  func.func @transform_1(%arg0: i32) -> (i32, i32) {
    %c0_i32 = arith.constant 0 : i32
    %c0_i32_0 = arith.constant 0 : i32
    return %arg0, %c0_i32 : i32, i32
  }
  func.func @transform_2(%arg0: i32) -> (i32, i32) {
    %c0_i32 = arith.constant 0 : i32
    %c0_i32_0 = arith.constant 0 : i32
    return %arg0, %c0_i32 : i32, i32
  }
}

</mosaic_0001>

<sc_bundles>
// kernel: kernel.6.cloned.1.call-start
scs
__scs_entry_jumppad:
0x0: {  	(pc) =	sbr.rel $0x88, $3  }
0x1: {  	(tag) =	ssettag $0x0;
	lr =	simm.s32 $0x1  }
0x2: {  	[smem:$0x3F9B] =	sst lr;
	_ =	strace $0xD0000000  }
0x3: {  	_ = 	snop  }
0x4: {  	_ = 	snop  }
0x5: {  	_ = 	snop  }
0x6: {  	_ = 	snop  }
0x7: {  	_ = 	snop  }
__scs_overlays_trampoline_lowered:
0x8: {  	[smem:$0x3FAA] =	sst s0  }
0x9: {  	[smem:$0x3FAB] =	sst s1  }
0xa: {  	[smem:$0x3FAC] =	sst s2  }
0xb: {  	[smem:$0x3FAD] =	sst s3  }
0xc: {  	[smem:$0x3FAE] =	sst s4  }
0xd: {  	[smem:$0x3FAF] =	sst s5  }
0xe: {  	[smem:$0x3FB0] =	sst s6  }
0xf: {  	[smem:$0x3FB1] =	sst s7  }
0x10: {  	[smem:$0x3FB2] =	sst s8  }
0x11: {  	[smem:$0x3FB3] =	sst s9;
	s0 =	simm.s32 @!p0 $0x0  }
0x12: {  	s1 =	sld [smem:$0x3F99];
	s0 =	simm.s32 @p0 $0x1  }
0x13: {  	[smem:$0x3FB4] =	sst s0;
	s0 =	simm.s32 @!p1 $0x0  }
0x14: {  	s2 =	sld [smem:$0x3F98];
	s0 =	simm.s32 @p1 $0x1  }
0x15: {  	[smem:$0x3FB5] =	sst s0;
	s0 =	simm.s32 @!p2 $0x0  }
0x16: {  	s3 =	sld [smem:$0x3FDB];
	s0 =	simm.s32 @p2 $0x1  }
0x17: {  	s4 =	simm.s32 $0x1BF5;
	[smem:$0x3FB7] =	sst s0  }
0x18: {  	s0 =	sld [smem:$0x3F9A];
	_ =	swait.ge [sflag:s4], $0x0  }
0x19: {  	s7 =	sld [smem:$0x3F9B]  }
0x1a: {  	s8 =	sadd.s32 $0xFFFFE003, lr  }
0x1b: {  	s9 =	sadd.s32 $0xFFFFFEF7, lr;
	s5 =	simm.s32 $0xFFFFFFFF;
	p2 =	slt.u32 s8, $0xFFFFF086  }
0x1c: {  	p1 =	slt.u32 s9, $0xF7A;
	s5 =	simm.s32 @!p2 $0x0  }
0x1d: {  	s5 =	simm.s32 @p1 $0x1;
	p0 =	seq.s32 s7, s2  }
0x1e: {  	s7 =	smul.u32 @!p0 $0xF7A, s2;
	p2 =	seq.s32 @!p0 s5, $0x0  }
0x1f: {  	s9 =	smul.u32 $0xF7A, s1;
	s8 =	simm.s32 @!p0 $0x1BF5;
	p2 =	por !p2, p0  }
0x20: {  	[sflag:s8] =	ssyncset.s32 @!p0 $0xFFFFF086;
	s6 =	sadd.s32 @!p0 s3, s7;
	s7 =	simm.s32 @!p0 $0x108  }
0x21: {  	s3 =	sadd.s32 s3, s9;
	s6 =	sadd.s32 @!p0 $0x88, s6;
	s7 =	simm.s32 @p2 $0x1082  }
0x22: {  	[simem:s7], [sflag:s8] =	dma.local @!p0 [hbm:s6], $0xF7A  }
0x23: {  	s9 =	sor.u32 $0xD0000000, s2;
	s6 =	simm.s32 $0x108;
	_ =	swait.ge @!p0 [sflag:s8], $0x0  }
0x24: {  	s3 =	sadd.s32 $0x88, s3;
	s6 =	simm.s32 @!p1 $0x1082;
	[sflag:s4] =	ssyncset.s32 $0xFFFFF086  }
0x25: {  	[simem:s6], [sflag:s4] =	dma.local [hbm:s3], $0xF7A  }
0x26: {  	[smem:$0x3F9B] =	sst s1;
	(tag) =	ssettag s2;
	_ =	strace s9  }
0x27: {  	s1 =	sld [smem:$0x3FAB]  }
0x28: {  	s2 =	sld [smem:$0x3FAC]  }
0x29: {  	s4 =	sld [smem:$0x3FAE]  }
0x2a: {  	p0 =	seq.s32 s5, $0x0;
	s5 =	sld [smem:$0x3FAF]  }
0x2b: {  	s6 =	sld [smem:$0x3FB0]  }
0x2c: {  	s7 =	sld [smem:$0x3FB1]  }
0x2d: {  	s3 =	simm.s32 $0x108;
	s8 =	sld [smem:$0x3FB2]  }
0x2e: {  	s3 =	simm.s32 @!p0 $0x1082;
	s9 =	sld [smem:$0x3FB3]  }
0x2f: {  	lr =	sadd.s32 s0, s3;
	s0 =	sld [smem:$0x3FAA]  }
0x30: {  	s3 =	sld [smem:$0x3FAD]  }
0x31: {  	[smem:$0x3FB6] =	sst s10  }
0x32: {  	s10 =	sld [smem:$0x3FB4];
	_ =	sdelay $0x3  }
0x33: {  	p0 =	seq.s32 s10, $0x1;
	s10 =	sld [smem:$0x3FB6];
	_ =	sdelay $0x3  }
0x34: {  	[smem:$0x3FB6] =	sst s10  }
0x35: {  	s10 =	sld [smem:$0x3FB5];
	_ =	sdelay $0x3  }
0x36: {  	p1 =	seq.s32 s10, $0x1;
	s10 =	sld [smem:$0x3FB6];
	_ =	sdelay $0x3  }
0x37: {  	[smem:$0x3FB6] =	sst s10  }
0x38: {  	s10 =	sld [smem:$0x3FB7]  }
0x39: {  	_ = 	snop;
	(pc) =	sbr.ind lr, $3  }
0x3a: {  	_ = 	snop  }
0x3b: {  	_ = 	snop  }
0x3c: {  	p2 =	seq.s32 s10, $0x1;
	s10 =	sld [smem:$0x3FB6]  }
0x3d: {  	_ =	shalt  }
0x3e: {  	_ =	shalt  }
0x3f: {  	_ =	shalt  }
0x40: {  	_ =	shalt  }
0x41: {  	_ =	shalt  }
0x42: {  	_ =	shalt  }
0x43: {  	_ =	shalt  }
0x44: {  	_ =	shalt  }
0x45: {  	_ =	shalt  }
0x46: {  	_ =	shalt  }
0x47: {  	_ =	shalt  }
0x48: {  	_ =	shalt  }
0x49: {  	_ =	shalt  }
0x4a: {  	_ =	shalt  }
0x4b: {  	_ =	shalt  }
0x4c: {  	_ =	shalt  }
0x4d: {  	_ =	shalt  }
0x4e: {  	_ =	shalt  }
0x4f: {  	_ =	shalt  }
0x50: {  	_ =	shalt  }
0x51: {  	_ =	shalt  }
0x52: {  	_ =	shalt  }
0x53: {  	_ =	shalt  }
0x54: {  	_ =	shalt  }
0x55: {  	_ =	shalt  }
0x56: {  	_ =	shalt  }
0x57: {  	_ =	shalt  }
0x58: {  	_ =	shalt  }
0x59: {  	_ =	shalt  }
0x5a: {  	_ =	shalt  }
0x5b: {  	_ =	shalt  }
0x5c: {  	_ =	shalt  }
0x5d: {  	_ =	shalt  }
0x5e: {  	_ =	shalt  }
0x5f: {  	_ =	shalt  }
0x60: {  	_ =	shalt  }
0x61: {  	_ =	shalt  }
0x62: {  	_ =	shalt  }
0x63: {  	_ =	shalt  }
0x64: {  	_ =	shalt  }
0x65: {  	_ =	shalt  }
0x66: {  	_ =	shalt  }
0x67: {  	_ =	shalt  }
0x68: {  	_ =	shalt  }
0x69: {  	_ =	shalt  }
0x6a: {  	_ =	shalt  }
0x6b: {  	_ =	shalt  }
0x6c: {  	_ =	shalt  }
0x6d: {  	_ =	shalt  }
0x6e: {  	_ =	shalt  }
0x6f: {  	_ =	shalt  }
0x70: {  	_ =	shalt  }
0x71: {  	_ =	shalt  }
0x72: {  	_ =	shalt  }
0x73: {  	_ =	shalt  }
0x74: {  	_ =	shalt  }
0x75: {  	_ =	shalt  }
0x76: {  	_ =	shalt  }
0x77: {  	_ =	shalt  }
0x78: {  	_ =	shalt  }
0x79: {  	_ =	shalt  }
0x7a: {  	_ =	shalt  }
0x7b: {  	_ =	shalt  }
0x7c: {  	_ =	shalt  }
0x7d: {  	_ =	shalt  }
0x7e: {  	_ =	shalt  }
0x7f: {  	_ =	shalt  }
0x80: {  	_ =	shalt  }
0x81: {  	_ =	shalt  }
0x82: {  	_ =	shalt  }
0x83: {  	_ =	shalt  }
0x84: {  	_ =	shalt  }
0x85: {  	_ =	shalt  }
0x86: {  	_ =	shalt  }
0x87: {  	_ =	shalt  }
.Lfunc_end0:
.L_simem_size_0:
called_computation_lowered:
.L_overlay_start_0:
0x88: {  	s2 =	sld [smem:$0x3FD9]  }
0x89: {  	s3 =	sld [smem:$0x3FFE];
	_ =	sdelay $0x1  }
0x8a: {  	s1 =	srdreg.scid  }
0x8b: {  	s0 =	sand.u32 $0x1, s1  }
0x8c: {  	s16 =	sshll.u32 s0, $0xA;
	s2 =	sadd.s32 s3, s2  }
0x8d: {  	s2 =	sadd.s32 s2, s16  }
0x8e: {  	[smem:$0x3FC2] =	sst s2  }
0x8f: {  	_ = 	snop  }
0x90: {  	(tm) =	ssettm $0x1  }
0x91: {  	s17 =	sld [smem:$0x3FFB];
	_ =	sdelay $0x3  }
0x92: {  	_ =	strace s17  }
0x93: {  	s2 =	sld [smem:$0x3FFC];
	_ =	sdelay $0x3  }
0x94: {  	_ =	strace s2  }
0x95: {  	s2 =	sld [smem:$0x3FFD];
	_ =	sdelay $0x3  }
0x96: {  	_ =	strace s2  }
0x97: {  	_ =	strace $0x8FFFFFFF  }
0x98: {  	s18 =	sld [smem:$0x3FDB];
	_ =	sdelay $0x1  }
0x99: {  	s19 =	simm.s32 $_scs_section_size  }
0x9a: {  	s4 =	simm.s32 $_size__tile_overlayer_lowered;
	s5 =	simm.s32 $_tile_overlayer_lowered  }
0x9b: {  	s22 =	simm.s32 $0x1BFF;
	s21 =	sshll.u32 s5, $0x1;
	s2 =	sadd.s32 s19, s18  }
0x9c: {  	s6 =	simm.s32 $0x0;
	s20 =	sshll.u32 s4, $0x1;
	s4 =	sadd.s32 s21, s2  }
0x9d: {  	[timem:s6], [sflag:s22] =	dma.local [hbm:s4], s20  }
0x9e: {  	_ =	swait.ge [sflag:s22], s20  }
0x9f: {  	s3 =	ssub.s32 $0x0, s20;
	[sflag:s22] =	ssyncset.done $0x0  }
0xa0: {  	[sflag:s22] =	ssyncadd.s32 s3;
	_ =	sdelay $0x1  }
0xa1: {  	s23 =	simm.s32 $0x1B8B  }
0xa2: {  	_ =	swait.ge [sflag:s23], $0x1  }
0xa3: {  	[sflag:s23] =	ssyncset.done $0x0  }
0xa4: {  	s25 =	simm.s32 $0x1B8E;
	s24 =	sld [smem:$0x3FFE];
	[sflag:s23] =	ssyncadd.s32 $0xFFFFFFFF  }
0xa5: {  	s26 =	simm.s32 $execute0_lowered;
	[smem:$0x3FD2] =	sst s25  }
0xa6: {  	s4 =	sshll.u32 s26, $0x1;
	_ =	strace $0x80000046;
	[dreg:$0x1] =	wrdreg $0xFFFFFFFF  }
0xa7: {  	s28 =	simm.s32 $_size_execute0_lowered;
	s2 =	sadd.s32 s2, s4;
	[dreg:$0x0] =	wrdreg $0x0  }
0xa8: {  	s4 =	sshll.u32 s28, $0x1;
	[dreg:$0x2] =	wrdreg s2  }
0xa9: {  	[dreg:$0x3] =	wrdreg s4  }
0xaa: {  	[dreg:$0x4] =	wrdreg $0xC0  }
0xab: {  	_ =	task [dreg:s6], $0x5FFFF  }
0xac: {  	[dreg:$0x1] =	wrdreg $0xFFFFFFFF  }
0xad: {  	[dreg:$0x0] =	wrdreg $0x60  }
0xae: {  	[dreg:$0x2] =	wrdreg s24  }
0xaf: {  	[dreg:$0x3] =	wrdreg $0x0  }
0xb0: {  	[dreg:$0x4] =	wrdreg $0x9  }
0xb1: {  	_ =	task.clear_ibuf [dreg:s6], $0x5FFFF;
	_ =	strace $0x90000046  }
0xb2: {  	s29 =	simm.s32 $0x9;
	_ =	strace $0x80000048  }
0xb3: {  	_ =	swait.ge [sflag:s29], $0x1  }
0xb4: {  	[sflag:s29] =	ssyncadd.s32 $0xFFFFFFFF  }
0xb5: {  	_ =	strace $0x90000048  }
0xb6: {  	_ =	sfence  }
0xb7: {  	s30 =	sld [smem:$0x0];
	_ =	sdelay $0x2  }
0xb8: {  	s31 =	sshll.u32 s1, $0xD;
	s1 =	sshrl.u32 s1, $0x2  }
0xb9: {  	s3 =	sand.u32 $0x4000, s31;
	s1 =	sadd.s32 s1, s30  }
0xba: {  	s0 =	sor.u32 s3, s0;
	s1 =	sshll.u32 s1, $0x11  }
0xbb: {  	s0 =	sor.u32 s1, s0  }
0xbc: {  	s0 =	sadd.s32 $0x8F2B, s0  }
0xbd: {  	[sflag:s0] =	ssyncadd.remote.s32 $0x1  }
0xbe: {  	_ =	sfence.sel $0xFFFF  }
0xbf: {  	[dreg:$0x0] =	wrdreg $0xFFFFFFFF;
	(pc) =	sbr.abs _section_cstart, $3  }
0xc0: {  	[dreg:$0x1] =	wrdreg $0xFFFFFFFF  }
0xc1: {  	_ =	task.clear_ibuf [dreg:s6], $0x2FFFF;
	_ =	strace $0x9FFFFFFF  }
0xc2: {  	(tm) =	ssettm $0x7FFFFFFF  }
0xc3: {  	_ =	shalt  }
tec
execute0_lowered:
.L_overlay_start_1:
0x0: {  	(tag) =	ssettag $0x1  }
0x1: {  	s4 =	rddreg [dreg:$0x0]  }
0x2: {  	s0 =	srdreg.scid;
	s2 =	rddreg [dreg:$0x1];
	s3 =	simm.s32 $0x0  }
0x3: {  	s11 =	simm.s32 $0x1FE00;
	s12 =	simm.s32 $0xC800;
	s13 =	simm.s32 $0xA000  }
0x4: {  	s14 =	simm.s32 $0x80;
	s15 =	simm.s32 $0x0;
	s5 =	sand.u32 $0x1, s0  }
0x5: {  	s0 =	stileid.u32;
	[smem:$0x7FF] =	sst s3;
	s1 =	sshll.u32 s5, $0x4  }
0x6: {  	s7 =	smul.u32 $0x5000, s0;
	s9 =	ssub.s32 $0x2, s5;
	p0 =	seq.s32 s5, $0x1  }
0x7: {  	s6 =	sor.u32 s0, s1;
	s1 =	rddreg [dreg:$0x2];
	_ =	strace $0x80000047  }
0x8: {  	s31 =	sshrl.u32 s9, $0x1;
	s6 =	smul.u32 $0x500, s6;
	s30 =	sshrl.u32 s7, $0x3  }
0x9: {  	s11 =	simm.s32 @!p0 $0x15E00;
	s9 =	ssub.s32 s9, s31;
	s10 =	sadd.s32 s30, s4  }
0xa: {  	s8 =	sadd.s32 s6, s4;
	s4 =	sadd.s32 $0x15C00, s4;
	s5 =	sadd.s32 $0xBC00, s10  }
0xb: {  	s6 =	sadd.s32 s7, s2;
	s7 =	sadd.s32 $0x1C00, s8;
	s8 =	smax.u32 s9, $0x1  }
0xc: {  	s9 =	sadd.s32 s11, s10;
	s10 =	simm.s32 $0x5000;
	s11 =	simm.s32 $0x1  }
.LBB2_1:
0xd: {  	[tilespmem:s10], [sflag:$0x1] =	stream.linear.gather [hbm4b:s5+s3], $0x5000, $0x38;
	[tilespmem:$0xD800] =	vst v63  }
0xe: {  	_ =	swait.ge [sflag:s11], $0x5000  }
0xf: {  	[sflag:s11] =	ssyncset.done $0x0  }
0x10: {  	[sflag:s11] =	ssyncadd.s32 $0xFFFFB000  }
0x11: {  	[spmem:s6] =	stream.linear.scatter [tilespmem:s10], [sflag:$0x1], $0x5000, $0x38;
	[tilespmem:$0xD800] =	vst v63  }
0x12: {  	_ =	swait.ge [sflag:s11], $0x5000  }
0x13: {  	[sflag:s11] =	ssyncset.done $0x0  }
0x14: {  	[sflag:s11] =	ssyncadd.s32 $0xFFFFB000  }
0x15: {  	[tilespmem:s12], [sflag:$0x1] =	stream.linear.gather [hbm4b:s4+s3], $0x1000, $0x38;
	[tilespmem:$0xD800] =	vst v63  }
0x16: {  	_ =	swait.ge [sflag:s11], $0x1000  }
0x17: {  	[sflag:s11] =	ssyncset.done $0x0  }
0x18: {  	[sflag:s11] =	ssyncadd.s32 $0xFFFFF000  }
0x19: {  	[tilespmem:s13], [sflag:$0x1] =	stream.linear.gather [hbm4b:s7+s3], $0x2800, $0x38;
	[tilespmem:$0xD800] =	vst v63  }
0x1a: {  	_ =	swait.ge [sflag:s11], $0x2800  }
0x1b: {  	[sflag:s11] =	ssyncset.done $0x0  }
0x1c: {  	[sflag:s11] =	ssyncadd.s32 $0xFFFFD800  }
0x1d: {  	s16 =	simm.s32 $0xA000;
	[bflag:$0x0] =	sbarrier.arrive $0xFFFF  }
0x1e: {  	[spmem:s2] =	stream.indirect.scatter.add.f32 [tilespmem:s12], [sflag:$0x1], $0x20, s16, s14, $0xb8;
	[tilespmem:$0xD800] =	vst v63  }
0x1f: {  	s16 =	simm.s32 $0x200;
	_ =	swait.ge [sflag:s11], $0x1000  }
.LBB2_2:
0x20: {  	s17 =	sshra.s32 s16, $0x2;
	[sflag:s11] =	ssyncset.done $0x0;
	p0 =	sne.s32 s16, $0x9E00  }
.Ltmp0:
0x21: {  	s17 =	sadd.s32 $0xA000, s17;
	[sflag:s11] =	ssyncadd.s32 $0xFFFFF000;
	(pc) =	sbr.rel @p0 .LBB2_2-.Ltmp0, $3  }
0x22: {  	[spmem:s2] =	stream.indirect.scatter.add.f32 [tilespmem:s12], [sflag:$0x1], $0x20, s17, s14, $0xb8;
	[tilespmem:$0xD800] =	vst v63  }
0x23: {  	s16 =	sadd.s32 $0x200, s16;
	_ =	sdelay $0x1  }
0x24: {  	_ =	swait.ge [sflag:s11], $0x1000  }
0x25: {  	[sflag:s11] =	ssyncset.done $0x0  }
0x26: {  	[sflag:s11] =	ssyncadd.s32 $0xFFFFF000  }
0x27: {  	[bflag:$0x0] =	sbarrier.arrive $0xFFFF  }
0x28: {  	[tilespmem:s10], [sflag:$0x1] =	stream.linear.gather [spmem:s6], $0x5000, $0x38;
	[tilespmem:$0xD800] =	vst v63  }
0x29: {  	s15 =	sadd.s32 $0x1, s15;
	_ =	swait.ge [sflag:s11], $0x5000  }
0x2a: {  	p0 =	sne.s32 s15, s8;
	[sflag:s11] =	ssyncset.done $0x0  }
.Ltmp1:
0x2b: {  	[sflag:s11] =	ssyncadd.s32 $0xFFFFB000;
	(pc) =	sbr.rel @p0 .LBB2_1-.Ltmp1, $4  }
0x2c: {  	[hbm4b:s9+s3] =	stream.linear.scatter [tilespmem:s10], [sflag:$0x1], $0x5000, $0x38;
	[tilespmem:$0xD800] =	vst v63  }
0x2d: {  	_ =	swait.ge [sflag:s11], $0x5000  }
0x2e: {  	[sflag:s11] =	ssyncset.done $0x0  }
0x2f: {  	[sflag:s11] =	ssyncadd.s32 $0xFFFFB000  }
0x30: {  	_ =	sfence.sel $0x180000  }
0x31: {  	[bflag:$0x0] =	sbarrier.arrive $0xFFFF  }
0x32: {  	p0 =	sne.s32 s0, $0x0;
	_ =	strace $0x90000047  }
0x33: {  	s0 =	sadd.s32 @!p0 $0x100000, s1;
	[bflag:$0x2] =	sbarrier.arrive $0xFFFF  }
0x34: {  	[sflag:s0] =	ssyncadd.tile.s32 @!p0 $0x1;
	_ =	shalt  }
.Lfunc_end2:
_tile_overlayer_lowered:
.L_overlay_start_2:
0x35: {  	(tag) =	ssettag $0x2  }
0x36: {  	s0 =	rddreg [dreg:$0x0];
	s2 =	stileid.u32  }
0x37: {  	s1 =	rddreg [dreg:$0x1];
	p0 =	sne.s32 s2, $0x0  }
0x38: {  	s3 =	rddreg [dreg:$0x2];
	[bflag:$0x3] =	sbarrier.arrive $0xFFFF;
	s2 =	simm.s32 @!p0 $0x1C01  }
0x39: {  	[timem:s3], [sflag:s2] =	dma.local @!p0 [hbm:s0], s1  }
0x3a: {  	s0 =	simm.s32 @!p0 $0x1  }
0x3b: {  	_ =	swait.ge @!p0 [sflag:s0], s1  }
0x3c: {  	s1 =	ssub.s32 @!p0 $0x0, s1;
	[sflag:s0] =	ssyncset.done @!p0 $0x0  }
0x3d: {  	[sflag:s0] =	ssyncadd.s32 @!p0 s1  }
0x3e: {  	[bflag:$0x3] =	sbarrier.arrive $0xFFFF  }
0x3f: {  	_ =	shalt  }

// kernel: kernel.9.cloned.1.call-start
scs
__scs_entry_jumppad:
0x0: {  	(pc) =	sbr.rel $0x88, $3  }
0x1: {  	(tag) =	ssettag $0x0;
	lr =	simm.s32 $0x1  }
0x2: {  	[smem:$0x3F9B] =	sst lr;
	_ =	strace $0xD0000000  }
0x3: {  	_ = 	snop  }
0x4: {  	_ = 	snop  }
0x5: {  	_ = 	snop  }
0x6: {  	_ = 	snop  }
0x7: {  	_ = 	snop  }
__scs_overlays_trampoline_lowered:
0x8: {  	[smem:$0x3FAA] =	sst s0  }
0x9: {  	[smem:$0x3FAB] =	sst s1  }
0xa: {  	[smem:$0x3FAC] =	sst s2  }
0xb: {  	[smem:$0x3FAD] =	sst s3  }
0xc: {  	[smem:$0x3FAE] =	sst s4  }
0xd: {  	[smem:$0x3FAF] =	sst s5  }
0xe: {  	[smem:$0x3FB0] =	sst s6  }
0xf: {  	[smem:$0x3FB1] =	sst s7  }
0x10: {  	[smem:$0x3FB2] =	sst s8  }
0x11: {  	[smem:$0x3FB3] =	sst s9;
	s0 =	simm.s32 @!p0 $0x0  }
0x12: {  	s1 =	sld [smem:$0x3F99];
	s0 =	simm.s32 @p0 $0x1  }
0x13: {  	[smem:$0x3FB4] =	sst s0;
	s0 =	simm.s32 @!p1 $0x0  }
0x14: {  	s2 =	sld [smem:$0x3F98];
	s0 =	simm.s32 @p1 $0x1  }
0x15: {  	[smem:$0x3FB5] =	sst s0;
	s0 =	simm.s32 @!p2 $0x0  }
0x16: {  	s3 =	sld [smem:$0x3FDB];
	s0 =	simm.s32 @p2 $0x1  }
0x17: {  	s4 =	simm.s32 $0x1BF5;
	[smem:$0x3FB7] =	sst s0  }
0x18: {  	s0 =	sld [smem:$0x3F9A];
	_ =	swait.ge [sflag:s4], $0x0  }
0x19: {  	s7 =	sld [smem:$0x3F9B]  }
0x1a: {  	s8 =	sadd.s32 $0xFFFFE003, lr  }
0x1b: {  	s9 =	sadd.s32 $0xFFFFFEF7, lr;
	s5 =	simm.s32 $0xFFFFFFFF;
	p2 =	slt.u32 s8, $0xFFFFF086  }
0x1c: {  	p1 =	slt.u32 s9, $0xF7A;
	s5 =	simm.s32 @!p2 $0x0  }
0x1d: {  	s5 =	simm.s32 @p1 $0x1;
	p0 =	seq.s32 s7, s2  }
0x1e: {  	s7 =	smul.u32 @!p0 $0xF7A, s2;
	p2 =	seq.s32 @!p0 s5, $0x0  }
0x1f: {  	s9 =	smul.u32 $0xF7A, s1;
	s8 =	simm.s32 @!p0 $0x1BF5;
	p2 =	por !p2, p0  }
0x20: {  	[sflag:s8] =	ssyncset.s32 @!p0 $0xFFFFF086;
	s6 =	sadd.s32 @!p0 s3, s7;
	s7 =	simm.s32 @!p0 $0x108  }
0x21: {  	s3 =	sadd.s32 s3, s9;
	s6 =	sadd.s32 @!p0 $0x88, s6;
	s7 =	simm.s32 @p2 $0x1082  }
0x22: {  	[simem:s7], [sflag:s8] =	dma.local @!p0 [hbm:s6], $0xF7A  }
0x23: {  	s9 =	sor.u32 $0xD0000000, s2;
	s6 =	simm.s32 $0x108;
	_ =	swait.ge @!p0 [sflag:s8], $0x0  }
0x24: {  	s3 =	sadd.s32 $0x88, s3;
	s6 =	simm.s32 @!p1 $0x1082;
	[sflag:s4] =	ssyncset.s32 $0xFFFFF086  }
0x25: {  	[simem:s6], [sflag:s4] =	dma.local [hbm:s3], $0xF7A  }
0x26: {  	[smem:$0x3F9B] =	sst s1;
	(tag) =	ssettag s2;
	_ =	strace s9  }
0x27: {  	s1 =	sld [smem:$0x3FAB]  }
0x28: {  	s2 =	sld [smem:$0x3FAC]  }
0x29: {  	s4 =	sld [smem:$0x3FAE]  }
0x2a: {  	p0 =	seq.s32 s5, $0x0;
	s5 =	sld [smem:$0x3FAF]  }
0x2b: {  	s6 =	sld [smem:$0x3FB0]  }
0x2c: {  	s7 =	sld [smem:$0x3FB1]  }
0x2d: {  	s3 =	simm.s32 $0x108;
	s8 =	sld [smem:$0x3FB2]  }
0x2e: {  	s3 =	simm.s32 @!p0 $0x1082;
	s9 =	sld [smem:$0x3FB3]  }
0x2f: {  	lr =	sadd.s32 s0, s3;
	s0 =	sld [smem:$0x3FAA]  }
0x30: {  	s3 =	sld [smem:$0x3FAD]  }
0x31: {  	[smem:$0x3FB6] =	sst s10  }
0x32: {  	s10 =	sld [smem:$0x3FB4];
	_ =	sdelay $0x3  }
0x33: {  	p0 =	seq.s32 s10, $0x1;
	s10 =	sld [smem:$0x3FB6];
	_ =	sdelay $0x3  }
0x34: {  	[smem:$0x3FB6] =	sst s10  }
0x35: {  	s10 =	sld [smem:$0x3FB5];
	_ =	sdelay $0x3  }
0x36: {  	p1 =	seq.s32 s10, $0x1;
	s10 =	sld [smem:$0x3FB6];
	_ =	sdelay $0x3  }
0x37: {  	[smem:$0x3FB6] =	sst s10  }
0x38: {  	s10 =	sld [smem:$0x3FB7]  }
0x39: {  	_ = 	snop;
	(pc) =	sbr.ind lr, $3  }
0x3a: {  	_ = 	snop  }
0x3b: {  	_ = 	snop  }
0x3c: {  	p2 =	seq.s32 s10, $0x1;
	s10 =	sld [smem:$0x3FB6]  }
0x3d: {  	_ =	shalt  }
0x3e: {  	_ =	shalt  }
0x3f: {  	_ =	shalt  }
0x40: {  	_ =	shalt  }
0x41: {  	_ =	shalt  }
0x42: {  	_ =	shalt  }
0x43: {  	_ =	shalt  }
0x44: {  	_ =	shalt  }
0x45: {  	_ =	shalt  }
0x46: {  	_ =	shalt  }
0x47: {  	_ =	shalt  }
0x48: {  	_ =	shalt  }
0x49: {  	_ =	shalt  }
0x4a: {  	_ =	shalt  }
0x4b: {  	_ =	shalt  }
0x4c: {  	_ =	shalt  }
0x4d: {  	_ =	shalt  }
0x4e: {  	_ =	shalt  }
0x4f: {  	_ =	shalt  }
0x50: {  	_ =	shalt  }
0x51: {  	_ =	shalt  }
0x52: {  	_ =	shalt  }
0x53: {  	_ =	shalt  }
0x54: {  	_ =	shalt  }
0x55: {  	_ =	shalt  }
0x56: {  	_ =	shalt  }
0x57: {  	_ =	shalt  }
0x58: {  	_ =	shalt  }
0x59: {  	_ =	shalt  }
0x5a: {  	_ =	shalt  }
0x5b: {  	_ =	shalt  }
0x5c: {  	_ =	shalt  }
0x5d: {  	_ =	shalt  }
0x5e: {  	_ =	shalt  }
0x5f: {  	_ =	shalt  }
0x60: {  	_ =	shalt  }
0x61: {  	_ =	shalt  }
0x62: {  	_ =	shalt  }
0x63: {  	_ =	shalt  }
0x64: {  	_ =	shalt  }
0x65: {  	_ =	shalt  }
0x66: {  	_ =	shalt  }
0x67: {  	_ =	shalt  }
0x68: {  	_ =	shalt  }
0x69: {  	_ =	shalt  }
0x6a: {  	_ =	shalt  }
0x6b: {  	_ =	shalt  }
0x6c: {  	_ =	shalt  }
0x6d: {  	_ =	shalt  }
0x6e: {  	_ =	shalt  }
0x6f: {  	_ =	shalt  }
0x70: {  	_ =	shalt  }
0x71: {  	_ =	shalt  }
0x72: {  	_ =	shalt  }
0x73: {  	_ =	shalt  }
0x74: {  	_ =	shalt  }
0x75: {  	_ =	shalt  }
0x76: {  	_ =	shalt  }
0x77: {  	_ =	shalt  }
0x78: {  	_ =	shalt  }
0x79: {  	_ =	shalt  }
0x7a: {  	_ =	shalt  }
0x7b: {  	_ =	shalt  }
0x7c: {  	_ =	shalt  }
0x7d: {  	_ =	shalt  }
0x7e: {  	_ =	shalt  }
0x7f: {  	_ =	shalt  }
0x80: {  	_ =	shalt  }
0x81: {  	_ =	shalt  }
0x82: {  	_ =	shalt  }
0x83: {  	_ =	shalt  }
0x84: {  	_ =	shalt  }
0x85: {  	_ =	shalt  }
0x86: {  	_ =	shalt  }
0x87: {  	_ =	shalt  }
.Lfunc_end0:
.L_simem_size_0:
called_computation.1_lowered:
.L_overlay_start_0:
0x88: {  	s2 =	sld [smem:$0x3FD9]  }
0x89: {  	s3 =	sld [smem:$0x3FFE];
	_ =	sdelay $0x1  }
0x8a: {  	s1 =	srdreg.scid  }
0x8b: {  	s0 =	sand.u32 $0x1, s1  }
0x8c: {  	s17 =	sshll.u32 s0, $0xA;
	s2 =	sadd.s32 s3, s2  }
0x8d: {  	s2 =	sadd.s32 s2, s17  }
0x8e: {  	[smem:$0x3FC2] =	sst s2  }
0x8f: {  	_ = 	snop  }
0x90: {  	s2 =	sld [smem:$0x3FD0];
	(tm) =	ssettm $0x1  }
0x91: {  	s18 =	sld [smem:$0x3FFB];
	_ =	sdelay $0x3  }
0x92: {  	_ =	strace s18  }
0x93: {  	s3 =	sld [smem:$0x3FFC];
	_ =	sdelay $0x3  }
0x94: {  	_ =	strace s3  }
0x95: {  	s3 =	sld [smem:$0x3FFD];
	_ =	sdelay $0x3  }
0x96: {  	_ =	strace s3  }
0x97: {  	_ =	strace $0x8FFFFFFF  }
0x98: {  	s19 =	sld [smem:$0x3FDB];
	_ =	sdelay $0x1  }
0x99: {  	s4 =	simm.s32 $_scs_section_size  }
0x9a: {  	s5 =	simm.s32 $_size__tile_overlayer_lowered;
	s6 =	simm.s32 $_tile_overlayer_lowered  }
0x9b: {  	s22 =	simm.s32 $0x1BFF;
	s21 =	sshll.u32 s6, $0x1;
	s3 =	sadd.s32 s4, s19  }
0x9c: {  	s7 =	simm.s32 $0x0;
	s20 =	sshll.u32 s5, $0x1;
	s5 =	sadd.s32 s21, s3  }
0x9d: {  	[timem:s7], [sflag:s22] =	dma.local [hbm:s5], s20  }
0x9e: {  	_ =	swait.ge [sflag:s22], s20  }
0x9f: {  	s4 =	ssub.s32 $0x0, s20;
	[sflag:s22] =	ssyncset.done $0x0  }
0xa0: {  	[sflag:s22] =	ssyncadd.s32 s4;
	_ =	sdelay $0x1  }
0xa1: {  	s23 =	simm.s32 $0x1B8B  }
0xa2: {  	_ =	swait.ge [sflag:s23], $0x1  }
0xa3: {  	[sflag:s23] =	ssyncset.done $0x0  }
0xa4: {  	s25 =	simm.s32 $0x1B8E;
	s24 =	sld [smem:$0x3FFE];
	[sflag:s23] =	ssyncadd.s32 $0xFFFFFFFF  }
0xa5: {  	s26 =	simm.s32 $execute0_lowered;
	[smem:$0x3FD2] =	sst s25  }
0xa6: {  	s5 =	sshll.u32 s26, $0x1;
	_ =	strace $0x80000049;
	[dreg:$0x1] =	wrdreg $0xFFFFFFFF  }
0xa7: {  	s28 =	simm.s32 $_size_execute0_lowered;
	s3 =	sadd.s32 s3, s5;
	[dreg:$0x0] =	wrdreg $0x0  }
0xa8: {  	s5 =	sshll.u32 s28, $0x1;
	[dreg:$0x2] =	wrdreg s3  }
0xa9: {  	[dreg:$0x3] =	wrdreg s5  }
0xaa: {  	[dreg:$0x4] =	wrdreg $0xC0  }
0xab: {  	_ =	task [dreg:s7], $0x5FFFF  }
0xac: {  	[dreg:$0x1] =	wrdreg $0xFFFFFFFF  }
0xad: {  	[dreg:$0x0] =	wrdreg $0x60  }
0xae: {  	[dreg:$0x2] =	wrdreg s2  }
0xaf: {  	[dreg:$0x3] =	wrdreg s24  }
0xb0: {  	[dreg:$0x4] =	wrdreg $0x0  }
0xb1: {  	[dreg:$0x5] =	wrdreg $0x9  }
0xb2: {  	_ =	task.clear_ibuf [dreg:s7], $0x6FFFF;
	_ =	strace $0x90000049  }
0xb3: {  	s29 =	simm.s32 $0x9;
	_ =	strace $0x8000004B  }
0xb4: {  	_ =	swait.ge [sflag:s29], $0x1  }
0xb5: {  	[sflag:s29] =	ssyncadd.s32 $0xFFFFFFFF  }
0xb6: {  	_ =	strace $0x9000004B  }
0xb7: {  	_ =	sfence  }
0xb8: {  	s30 =	sld [smem:$0x0];
	_ =	sdelay $0x2  }
0xb9: {  	s31 =	sshll.u32 s1, $0xD;
	s1 =	sshrl.u32 s1, $0x2  }
0xba: {  	s3 =	sand.u32 $0x4000, s31;
	s1 =	sadd.s32 s1, s30  }
0xbb: {  	s0 =	sor.u32 s3, s0;
	s1 =	sshll.u32 s1, $0x11  }
0xbc: {  	s0 =	sor.u32 s1, s0  }
0xbd: {  	s0 =	sadd.s32 $0x8F2B, s0  }
0xbe: {  	[sflag:s0] =	ssyncadd.remote.s32 $0x1  }
0xbf: {  	_ =	sfence.sel $0xFFFF  }
0xc0: {  	[dreg:$0x0] =	wrdreg $0xFFFFFFFF;
	(pc) =	sbr.abs _section_cstart, $3  }
0xc1: {  	[dreg:$0x1] =	wrdreg $0xFFFFFFFF  }
0xc2: {  	_ =	task.clear_ibuf [dreg:s7], $0x2FFFF;
	_ =	strace $0x9FFFFFFF  }
0xc3: {  	(tm) =	ssettm $0x7FFFFFFF  }
tec
execute0_lowered:
.L_overlay_start_1:
0x0: {  	(tag) =	ssettag $0x1  }
0x1: {  	s0 =	rddreg [dreg:$0x0]  }
0x2: {  	s1 =	rddreg [dreg:$0x1]  }
0x3: {  	s2 =	rddreg [dreg:$0x2];
	s3 =	simm.s32 $0x0;
	s13 =	stileid.u32  }
0x4: {  	s4 =	srdreg.scid;
	s19 =	simm.s32 $0x2;
	s22 =	simm.s32 $0xF000  }
0x5: {  	s23 =	simm.s32 $0x200;
	s24 =	simm.s32 $0x19000;
	s25 =	simm.s32 $0x1  }
0x6: {  	s26 =	simm.s32 $0x1D000;
	s28 =	simm.s32 $0x0;
	s15 =	smul.u32 $0x5000, s13  }
0x7: {  	[smem:$0x7FF] =	sst s3;
	s9 =	smul.u32 $0xA00, s13;
	s18 =	sand.u32 $0x1, s4  }
0x8: {  	s4 =	sadd.s32 $0x15C00, s1;
	s5 =	sadd.s32 $0xBC00, s1;
	s6 =	sadd.s32 $0x29C00, s1  }
0x9: {  	s7 =	sadd.s32 $0x33C00, s1;
	_ =	strace $0x8000004A;
	s8 =	ssub.s32 $0x2, s18  }
0xa: {  	p0 =	seq.s32 s18, $0x0;
	s16 =	sshrl.u32 s15, $0x3;
	s10 =	sadd.s32 s9, s1  }
.Ltmp0:
0xb: {  	s12 =	sshrl.u32 s8, $0x1;
	s9 =	sadd.s32 s0, s9;
	(pc) =	sbr.rel .LBB2_1-.Ltmp0, $4  }
0xc: {  	s15 =	sadd.s32 s15, s2;
	s11 =	sadd.s32 s16, s1;
	s30 =	ssub.s32 s8, s12  }
0xd: {  	s8 =	smul.u32 $0x280, s13;
	s10 =	sadd.s32 $0x1C00, s10;
	s31 =	sadd.s32 s5, s16  }
0xe: {  	s13 =	sadd.s32 s4, s16;
	s14 =	sadd.s32 s6, s16;
	s16 =	sadd.s32 s7, s16  }
0xf: {  	s11 =	sadd.s32 $0x1FC00, s11;
	[dreg:$0x4] =	wrdreg s31;
	s17 =	smax.u32 s30, $0x1  }
.LBB2_20:
0x10: {  	s28 =	sadd.s32 $0x1, s28  }
0x11: {  	p1 =	sne.s32 s28, s17  }
.Ltmp1:
0x12: {  	_ = 	snop;
	(pc) =	sbr.rel @!p1 .LBB2_21-.Ltmp1, $4  }
0x13: {  	[hbm4b:s0+s3] =	stream.linear.scatter [tilespmem:s22], [sflag:$0x2], $0x5000, $0x38;
	[tilespmem:$0x1E000] =	vst v63  }
0x14: {  	_ =	swait.ge [sflag:s19], $0x5000  }
0x15: {  	[sflag:s19] =	ssyncset.done $0x0  }
0x16: {  	[sflag:s19] =	ssyncadd.s32 $0xFFFFB000  }
.LBB2_1:
0x17: {  	s0 =	simm.s32 $0x5000  }
0x18: {  	[tilespmem:s0], [sflag:$0x2] =	stream.linear.gather [hbm4b:s9+s3], $0x5000, $0x38;
	[tilespmem:$0x1E000] =	vst v63  }
0x19: {  	_ =	swait.ge [sflag:s19], $0x5000  }
0x1a: {  	[sflag:s19] =	ssyncset.done $0x0  }
0x1b: {  	s30 =	simm.s32 $0xA000;
	[sflag:s19] =	ssyncadd.s32 $0xFFFFB000  }
0x1c: {  	[tilespmem:s30], [sflag:$0x2] =	stream.linear.gather [hbm4b:s10+s3], $0x5000, $0x38;
	[tilespmem:$0x1E000] =	vst v63  }
0x1d: {  	_ =	swait.ge [sflag:s19], $0x5000  }
0x1e: {  	[sflag:s19] =	ssyncset.done $0x0  }
.Ltmp2:
0x1f: {  	s31 =	simm.s32 $0x14000;
	[sflag:s19] =	ssyncadd.s32 $0xFFFFB000;
	(pc) =	sbr.rel @!p0 .LBB2_2-.Ltmp2, $4  }
0x20: {  	[tilespmem:s31], [sflag:$0x2] =	stream.linear.gather [hbm4b:s11+s3], $0x5000, $0x38;
	[tilespmem:$0x1E000] =	vst v63  }
0x21: {  	_ =	swait.ge [sflag:s19], $0x5000  }
0x22: {  	[sflag:s19] =	ssyncset.done $0x0  }
0x23: {  	s29 =	simm.s32 $0x0;
	[sflag:s19] =	ssyncadd.s32 $0xFFFFB000  }
0x24: {  	[tilespmem:s22], [sflag:$0x2] =	stream.linear.gather [hbm4b:s13+s29], $0x5000, $0x38;
	[tilespmem:$0x1E000] =	vst v63  }
0x25: {  	_ =	swait.ge [sflag:s19], $0x5000  }
0x26: {  	[sflag:s19] =	ssyncset.done $0x0  }
0x27: {  	s30 =	simm.s32 $0x0;
	[sflag:s19] =	ssyncadd.s32 $0xFFFFB000  }
.LBB2_12:
0x28: {  	[hbm4b:s14+s29] =	stream.linear.scatter [tilespmem:s22], [sflag:$0x2], $0x5000, $0x38;
	[tilespmem:$0x1E000] =	vst v63  }
0x29: {  	_ =	swait.ge [sflag:s19], $0x5000  }
0x2a: {  	[sflag:s19] =	ssyncset.done $0x0  }
0x2b: {  	[sflag:s19] =	ssyncadd.s32 $0xFFFFB000  }
0x2c: {  	[spmem:s15] =	stream.linear.scatter [tilespmem:s22], [sflag:$0x2], $0x5000, $0x38;
	[tilespmem:$0x1E000] =	vst v63  }
0x2d: {  	_ =	swait.ge [sflag:s19], $0x5000  }
0x2e: {  	[sflag:s19] =	ssyncset.done $0x0  }
0x2f: {  	[sflag:s19] =	ssyncadd.s32 $0xFFFFB000  }
0x30: {  	s0 =	simm.s32 $0x5000;
	[bflag:$0x0] =	sbarrier.arrive $0xFFFF  }
0x31: {  	[tilespmem:s24], [sflag:$0x1] =	stream.indirect.gather [hbm4b:s6+s23], $0x20, s0, s23, $0xb8;
	[tilespmem:$0x1E000] =	vst v63  }
0x32: {  	_ =	swait.ge [sflag:s25], $0x4000  }
0x33: {  	[sflag:s25] =	ssyncset.done $0x0  }
0x34: {  	s31 =	simm.s32 $0xA000;
	[sflag:s25] =	ssyncadd.s32 $0xFFFFC000  }
0x35: {  	[spmem:s2] =	stream.indirect.scatter.add.f32 [tilespmem:s24], [sflag:$0x2], $0x20, s31, s23, $0xb8;
	[tilespmem:$0x1E000] =	vst v63  }
0x36: {  	_ =	swait.ge [sflag:s19], $0x4000  }
0x37: {  	s1 =	simm.s32 $0x1000;
	s0 =	simm.s32 $0x200;
	[sflag:s19] =	ssyncset.done $0x0  }
.LBB2_13:
0x38: {  	s18 =	sadd.s32 $0x5000, s0  }
0x39: {  	[sflag:s19] =	ssyncadd.s32 $0xFFFFC000;
	s20 =	smov.u32 s1;
	s21 =	sadd.s32 $0x800, s1  }
0x3a: {  	[tilespmem:s24], [sflag:$0x1] =	stream.indirect.gather [hbm4b:s6+s23], $0x20, s18, s23, $0xb8;
	[tilespmem:$0x1E000] =	vst v63  }
0x3b: {  	p1 =	sne.s32 s1, $0x13800;
	_ =	swait.ge [sflag:s25], $0x4000  }
.Ltmp3:
0x3c: {  	[sflag:s25] =	ssyncset.done $0x0;
	(pc) =	sbr.rel @p1 .LBB2_13-.Ltmp3, $4  }
0x3d: {  	s0 =	sadd.s32 $0xA000, s0;
	[sflag:s25] =	ssyncadd.s32 $0xFFFFC000  }
0x3e: {  	[spmem:s2] =	stream.indirect.scatter.add.f32 [tilespmem:s24], [sflag:$0x2], $0x20, s0, s23, $0xb8;
	[tilespmem:$0x1E000] =	vst v63  }
0x3f: {  	_ =	swait.ge [sflag:s19], $0x4000  }
0x40: {  	s1 =	smov.u32 s21;
	s0 =	sshra.s32 s20, $0x2;
	[sflag:s19] =	ssyncset.done $0x0  }
0x41: {  	s1 =	sadd.s32 $0x5000, s0;
	[sflag:s19] =	ssyncadd.s32 $0xFFFFC000  }
0x42: {  	[tilespmem:s24], [sflag:$0x1] =	stream.indirect.gather [hbm4b:s6+s23], $0x20, s1, s23, $0xb8;
	[tilespmem:$0x1E000] =	vst v63  }
0x43: {  	_ =	swait.ge [sflag:s25], $0x4000  }
0x44: {  	[sflag:s25] =	ssyncset.done $0x0  }
0x45: {  	s21 =	sadd.s32 $0xA000, s0;
	[sflag:s25] =	ssyncadd.s32 $0xFFFFC000  }
0x46: {  	[spmem:s2] =	stream.indirect.scatter.add.f32 [tilespmem:s24], [sflag:$0x2], $0x20, s21, s23, $0xb8;
	[tilespmem:$0x1E000] =	vst v63  }
0x47: {  	_ =	swait.ge [sflag:s19], $0x4000  }
0x48: {  	[sflag:s19] =	ssyncset.done $0x0  }
0x49: {  	[sflag:s19] =	ssyncadd.s32 $0xFFFFC000  }
0x4a: {  	s31 =	simm.s32 $0xF000;
	[bflag:$0x0] =	sbarrier.arrive $0xFFFF  }
0x4b: {  	[tilespmem:s31], [sflag:$0x2] =	stream.linear.gather [spmem:s15], $0x5000, $0x38;
	[tilespmem:$0x1E000] =	vst v63  }
0x4c: {  	_ =	swait.ge [sflag:s19], $0x5000  }
0x4d: {  	s0 =	simm.s32 $0x0;
	[sflag:s19] =	ssyncset.done $0x0  }
0x4e: {  	s18 =	simm.s32 $0x0;
	s1 =	simm.s32 $0x14000;
	[sflag:s19] =	ssyncadd.s32 $0xFFFFB000  }
.LBB2_15:
0x4f: {  	s20 =	sshll.u32 s18, $0x7  }
0x50: {  	s20 =	sadd.s32 s8, s20  }
0x51: {  	s20 =	sshll.u32 s20, $0x2  }
0x52: {  	v1 =	vmov s1;
	s20 =	sadd.s32 s4, s20  }
0x53: {  	v0 =	vmov s31;
	[tilespmem:s26], [sflag:$0x2] =	stream.linear.gather [hbm4b:s20+s0], $0x1000, $0x38;
	[tilespmem:$0x1E000] =	vst v63  }
0x54: {  	_ =	swait.ge [sflag:s19], $0x1000  }
0x55: {  	[sflag:s19] =	ssyncset.done $0x0  }
0x56: {  	s20 =	simm.s32 $0x0;
	[sflag:s19] =	ssyncadd.s32 $0xFFFFF000  }
0x57: {  	v2 =	vld.idx.msk [tilespmem:v1+s20+$0x0 ss:$0x1], $0xffff  }
0x58: {  	v3 =	vld.idx.msk [tilespmem:v0+s20+$0x0 ss:$0x1], $0xffff  }
0x59: {  	v4 =	vld [tilespmem:s20+$0x1D000];
	_ =	sdelay $0x4  }
0x5a: {  	v2 =	vmul.f32 v3, v2;
	v3 =	vmul.f32 $1.000000010e-01, v4;
	_ =	sdelay $0x1  }
0x5b: {  	v2 =	vadd.f32 v3, v2;
	_ =	sdelay $0x1  }
0x5c: {  	[tilespmem:v0+s20+$0x0 ss:$0x1] =	vst.idx.msk $0xffff, v2  }
0x5d: {  	v4 =	vld [tilespmem:s20+$0x1D010]  }
0x5e: {  	v2 =	vld.idx.msk [tilespmem:v1+s20+$0x10 ss:$0x1], $0xffff  }
0x5f: {  	v3 =	vld.idx.msk [tilespmem:v0+s20+$0x10 ss:$0x1], $0xffff;
	_ =	sdelay $0x3  }
0x60: {  	s21 =	simm.s32 $0x80;
	v4 =	vmul.f32 $1.000000010e-01, v4  }
.LBB2_16:
0x61: {  	p1 =	sne.s32 s21, $0x3F80;
	v2 =	vmul.f32 v3, v2;
	s12 =	smov.u32 s21;
	s21 =	sadd.s32 $0x80, s21  }
0x62: {  	_ = 	snop  }
0x63: {  	v2 =	vadd.f32 v4, v2  }
0x64: {  	s12 =	sshra.s32 s12, $0x2  }
0x65: {  	[tilespmem:v0+s20+$0x10 ss:$0x1] =	vst.idx.msk $0xffff, v2;
	s20 =	smov.u32 s12  }
0x66: {  	v2 =	vld.idx.msk [tilespmem:v1+s20+$0x0 ss:$0x1], $0xffff  }
0x67: {  	v3 =	vld.idx.msk [tilespmem:v0+s20+$0x0 ss:$0x1], $0xffff  }
0x68: {  	v4 =	vld [tilespmem:s20+$0x1D000];
	_ =	sdelay $0x4  }
0x69: {  	v2 =	vmul.f32 v3, v2;
	v3 =	vmul.f32 $1.000000010e-01, v4;
	_ =	sdelay $0x1  }
0x6a: {  	v2 =	vadd.f32 v3, v2;
	_ =	sdelay $0x1  }
0x6b: {  	[tilespmem:v0+s20+$0x0 ss:$0x1] =	vst.idx.msk $0xffff, v2  }
0x6c: {  	v2 =	vld.idx.msk [tilespmem:v1+s20+$0x10 ss:$0x1], $0xffff  }
0x6d: {  	v4 =	vld [tilespmem:s20+$0x1D010]  }
0x6e: {  	v3 =	vld.idx.msk [tilespmem:v0+s20+$0x10 ss:$0x1], $0xffff  }
.Ltmp4:
0x6f: {  	(pc) =	sbr.rel @p1 .LBB2_16-.Ltmp4, $2  }
0x70: {  	_ =	sdelay $0x2  }
0x71: {  	v4 =	vmul.f32 $1.000000010e-01, v4  }
0x72: {  	s18 =	sadd.s32 $0x1, s18  }
0x73: {  	p1 =	sne.s32 s18, $0x5  }
.Ltmp5:
0x74: {  	v1 =	vmul.f32 v3, v2;
	(pc) =	sbr.rel @p1 .LBB2_15-.Ltmp5, $3  }
0x75: {  	_ = 	snop  }
0x76: {  	v1 =	vadd.f32 v4, v1;
	_ =	sdelay $0x1  }
0x77: {  	s31 =	sadd.s32 $0x1000, s31;
	s1 =	sadd.s32 $0x1000, s1;
	[tilespmem:v0+s20+$0x10 ss:$0x1] =	vst.idx.msk $0xffff, v1  }
0x78: {  	s30 =	sadd.s32 $0x1, s30  }
0x79: {  	p1 =	seq.s32 s30, $0xA  }
.Ltmp6:
0x7a: {  	_ = 	snop;
	(pc) =	sbr.rel @!p1 .LBB2_12-.Ltmp6, $1  }
0x7b: {  	_ =	sdelay $0x3  }
.Ltmp7:
0x7c: {  	(pc) =	sbr.rel .LBB2_20-.Ltmp7, $2  }
0x7d: {  	_ =	sdelay $0x2  }
0x7e: {  	s0 =	smov.u32 s14  }
.LBB2_2:
0x7f: {  	s0 =	rddreg [dreg:$0x4]  }
0x80: {  	[tilespmem:s22], [sflag:$0x2] =	stream.linear.gather [hbm4b:s0+s29], $0x5000, $0x38;
	[tilespmem:$0x1E000] =	vst v63  }
0x81: {  	_ =	swait.ge [sflag:s19], $0x5000  }
0x82: {  	[sflag:s19] =	ssyncset.done $0x0  }
0x83: {  	s30 =	simm.s32 $0x0;
	[sflag:s19] =	ssyncadd.s32 $0xFFFFB000  }
.LBB2_3:
0x84: {  	[hbm4b:s16+s29] =	stream.linear.scatter [tilespmem:s22], [sflag:$0x2], $0x5000, $0x38;
	[tilespmem:$0x1E000] =	vst v63  }
0x85: {  	_ =	swait.ge [sflag:s19], $0x5000  }
0x86: {  	[sflag:s19] =	ssyncset.done $0x0  }
0x87: {  	[sflag:s19] =	ssyncadd.s32 $0xFFFFB000  }
0x88: {  	[spmem:s15] =	stream.linear.scatter [tilespmem:s22], [sflag:$0x2], $0x5000, $0x38;
	[tilespmem:$0x1E000] =	vst v63  }
0x89: {  	_ =	swait.ge [sflag:s19], $0x5000  }
0x8a: {  	[sflag:s19] =	ssyncset.done $0x0  }
0x8b: {  	[sflag:s19] =	ssyncadd.s32 $0xFFFFB000  }
0x8c: {  	s0 =	simm.s32 $0x5000;
	[bflag:$0x0] =	sbarrier.arrive $0xFFFF  }
0x8d: {  	[tilespmem:s24], [sflag:$0x1] =	stream.indirect.gather [hbm4b:s7+s23], $0x20, s0, s23, $0xb8;
	[tilespmem:$0x1E000] =	vst v63  }
0x8e: {  	_ =	swait.ge [sflag:s25], $0x4000  }
0x8f: {  	[sflag:s25] =	ssyncset.done $0x0  }
0x90: {  	s31 =	simm.s32 $0xA000;
	[sflag:s25] =	ssyncadd.s32 $0xFFFFC000  }
0x91: {  	[spmem:s2] =	stream.indirect.scatter.add.f32 [tilespmem:s24], [sflag:$0x2], $0x20, s31, s23, $0xb8;
	[tilespmem:$0x1E000] =	vst v63  }
0x92: {  	_ =	swait.ge [sflag:s19], $0x4000  }
0x93: {  	s1 =	simm.s32 $0x1000;
	s0 =	simm.s32 $0x200;
	[sflag:s19] =	ssyncset.done $0x0  }
.LBB2_4:
0x94: {  	s12 =	sadd.s32 $0x5000, s0  }
0x95: {  	[sflag:s19] =	ssyncadd.s32 $0xFFFFC000;
	s18 =	smov.u32 s1;
	s20 =	sadd.s32 $0x800, s1  }
0x96: {  	[tilespmem:s24], [sflag:$0x1] =	stream.indirect.gather [hbm4b:s7+s23], $0x20, s12, s23, $0xb8;
	[tilespmem:$0x1E000] =	vst v63  }
0x97: {  	p1 =	sne.s32 s1, $0x13800;
	_ =	swait.ge [sflag:s25], $0x4000  }
.Ltmp8:
0x98: {  	[sflag:s25] =	ssyncset.done $0x0;
	(pc) =	sbr.rel @p1 .LBB2_4-.Ltmp8, $4  }
0x99: {  	s0 =	sadd.s32 $0xA000, s0;
	[sflag:s25] =	ssyncadd.s32 $0xFFFFC000  }
0x9a: {  	[spmem:s2] =	stream.indirect.scatter.add.f32 [tilespmem:s24], [sflag:$0x2], $0x20, s0, s23, $0xb8;
	[tilespmem:$0x1E000] =	vst v63  }
0x9b: {  	_ =	swait.ge [sflag:s19], $0x4000  }
0x9c: {  	s1 =	smov.u32 s20;
	s0 =	sshra.s32 s18, $0x2;
	[sflag:s19] =	ssyncset.done $0x0  }
0x9d: {  	s1 =	sadd.s32 $0x5000, s0;
	[sflag:s19] =	ssyncadd.s32 $0xFFFFC000  }
0x9e: {  	[tilespmem:s24], [sflag:$0x1] =	stream.indirect.gather [hbm4b:s7+s23], $0x20, s1, s23, $0xb8;
	[tilespmem:$0x1E000] =	vst v63  }
0x9f: {  	_ =	swait.ge [sflag:s25], $0x4000  }
0xa0: {  	[sflag:s25] =	ssyncset.done $0x0  }
0xa1: {  	s21 =	sadd.s32 $0xA000, s0;
	[sflag:s25] =	ssyncadd.s32 $0xFFFFC000  }
0xa2: {  	[spmem:s2] =	stream.indirect.scatter.add.f32 [tilespmem:s24], [sflag:$0x2], $0x20, s21, s23, $0xb8;
	[tilespmem:$0x1E000] =	vst v63  }
0xa3: {  	_ =	swait.ge [sflag:s19], $0x4000  }
0xa4: {  	[sflag:s19] =	ssyncset.done $0x0  }
0xa5: {  	[sflag:s19] =	ssyncadd.s32 $0xFFFFC000  }
0xa6: {  	s31 =	simm.s32 $0xF000;
	[bflag:$0x0] =	sbarrier.arrive $0xFFFF  }
0xa7: {  	[tilespmem:s31], [sflag:$0x2] =	stream.linear.gather [spmem:s15], $0x5000, $0x38;
	[tilespmem:$0x1E000] =	vst v63  }
0xa8: {  	_ =	swait.ge [sflag:s19], $0x5000  }
0xa9: {  	s0 =	simm.s32 $0x0;
	[sflag:s19] =	ssyncset.done $0x0  }
0xaa: {  	s18 =	simm.s32 $0x0;
	s1 =	simm.s32 $0x14000;
	[sflag:s19] =	ssyncadd.s32 $0xFFFFB000  }
.LBB2_6:
0xab: {  	s12 =	sshll.u32 s18, $0x7  }
0xac: {  	s12 =	sadd.s32 s8, s12  }
0xad: {  	s12 =	sshll.u32 s12, $0x2  }
0xae: {  	v1 =	vmov s1;
	s12 =	sadd.s32 s5, s12  }
0xaf: {  	v0 =	vmov s31;
	[tilespmem:s26], [sflag:$0x2] =	stream.linear.gather [hbm4b:s12+s0], $0x1000, $0x38;
	[tilespmem:$0x1E000] =	vst v63  }
0xb0: {  	_ =	swait.ge [sflag:s19], $0x1000  }
0xb1: {  	[sflag:s19] =	ssyncset.done $0x0  }
0xb2: {  	s20 =	simm.s32 $0x0;
	[sflag:s19] =	ssyncadd.s32 $0xFFFFF000  }
0xb3: {  	v2 =	vld.idx.msk [tilespmem:v1+s20+$0x0 ss:$0x1], $0xffff  }
0xb4: {  	v3 =	vld.idx.msk [tilespmem:v0+s20+$0x0 ss:$0x1], $0xffff  }
0xb5: {  	v4 =	vld [tilespmem:s20+$0x1D000];
	_ =	sdelay $0x4  }
0xb6: {  	v2 =	vmul.f32 v3, v2;
	v3 =	vmul.f32 $1.000000010e-01, v4;
	_ =	sdelay $0x1  }
0xb7: {  	v2 =	vadd.f32 v3, v2;
	_ =	sdelay $0x1  }
0xb8: {  	[tilespmem:v0+s20+$0x0 ss:$0x1] =	vst.idx.msk $0xffff, v2  }
0xb9: {  	v4 =	vld [tilespmem:s20+$0x1D010]  }
0xba: {  	v2 =	vld.idx.msk [tilespmem:v1+s20+$0x10 ss:$0x1], $0xffff  }
0xbb: {  	v3 =	vld.idx.msk [tilespmem:v0+s20+$0x10 ss:$0x1], $0xffff;
	_ =	sdelay $0x3  }
0xbc: {  	s21 =	simm.s32 $0x80;
	v4 =	vmul.f32 $1.000000010e-01, v4  }
.LBB2_7:
0xbd: {  	p1 =	sne.s32 s21, $0x3F80;
	v2 =	vmul.f32 v3, v2;
	s12 =	smov.u32 s21;
	s21 =	sadd.s32 $0x80, s21  }
0xbe: {  	_ = 	snop  }
0xbf: {  	v2 =	vadd.f32 v4, v2  }
0xc0: {  	s12 =	sshra.s32 s12, $0x2  }
0xc1: {  	[tilespmem:v0+s20+$0x10 ss:$0x1] =	vst.idx.msk $0xffff, v2;
	s20 =	smov.u32 s12  }
0xc2: {  	v2 =	vld.idx.msk [tilespmem:v1+s20+$0x0 ss:$0x1], $0xffff  }
0xc3: {  	v3 =	vld.idx.msk [tilespmem:v0+s20+$0x0 ss:$0x1], $0xffff  }
0xc4: {  	v4 =	vld [tilespmem:s20+$0x1D000];
	_ =	sdelay $0x4  }
0xc5: {  	v2 =	vmul.f32 v3, v2;
	v3 =	vmul.f32 $1.000000010e-01, v4;
	_ =	sdelay $0x1  }
0xc6: {  	v2 =	vadd.f32 v3, v2;
	_ =	sdelay $0x1  }
0xc7: {  	[tilespmem:v0+s20+$0x0 ss:$0x1] =	vst.idx.msk $0xffff, v2  }
0xc8: {  	v2 =	vld.idx.msk [tilespmem:v1+s20+$0x10 ss:$0x1], $0xffff  }
0xc9: {  	v4 =	vld [tilespmem:s20+$0x1D010]  }
0xca: {  	v3 =	vld.idx.msk [tilespmem:v0+s20+$0x10 ss:$0x1], $0xffff  }
.Ltmp9:
0xcb: {  	(pc) =	sbr.rel @p1 .LBB2_7-.Ltmp9, $2  }
0xcc: {  	_ =	sdelay $0x2  }
0xcd: {  	v4 =	vmul.f32 $1.000000010e-01, v4  }
0xce: {  	s18 =	sadd.s32 $0x1, s18  }
0xcf: {  	p1 =	sne.s32 s18, $0x5  }
.Ltmp10:
0xd0: {  	v1 =	vmul.f32 v3, v2;
	(pc) =	sbr.rel @p1 .LBB2_6-.Ltmp10, $3  }
0xd1: {  	_ = 	snop  }
0xd2: {  	v1 =	vadd.f32 v4, v1;
	_ =	sdelay $0x1  }
0xd3: {  	s31 =	sadd.s32 $0x1000, s31;
	s1 =	sadd.s32 $0x1000, s1;
	[tilespmem:v0+s20+$0x10 ss:$0x1] =	vst.idx.msk $0xffff, v1  }
0xd4: {  	s30 =	sadd.s32 $0x1, s30  }
0xd5: {  	p1 =	sne.s32 s30, $0xA  }
.Ltmp11:
0xd6: {  	_ = 	snop;
	(pc) =	sbr.rel @p1 .LBB2_3-.Ltmp11, $1  }
0xd7: {  	_ =	sdelay $0x3  }
.Ltmp12:
0xd8: {  	(pc) =	sbr.rel .LBB2_20-.Ltmp12, $2  }
0xd9: {  	_ =	sdelay $0x2  }
0xda: {  	s0 =	smov.u32 s16  }
.LBB2_21:
0xdb: {  	_ =	sfence.sel $0x180000  }
0xdc: {  	[bflag:$0x0] =	sbarrier.arrive $0xFFFF  }
0xdd: {  	_ =	strace $0x9000004A  }
0xde: {  	s0 =	stileid.u32;
	[bflag:$0x2] =	sbarrier.arrive $0xFFFF  }
0xdf: {  	p0 =	sne.s32 s0, $0x0;
	s0 =	rddreg [dreg:$0x3]  }
0xe0: {  	s0 =	sadd.s32 @!p0 $0x100000, s0  }
0xe1: {  	[sflag:s0] =	ssyncadd.tile.s32 @!p0 $0x1;
	_ =	shalt  }
.Lfunc_end2:
_tile_overlayer_lowered:
.L_overlay_start_2:
0xe2: {  	(tag) =	ssettag $0x2  }
0xe3: {  	s0 =	rddreg [dreg:$0x0];
	s2 =	stileid.u32  }
0xe4: {  	s1 =	rddreg [dreg:$0x1];
	p0 =	sne.s32 s2, $0x0  }
0xe5: {  	s3 =	rddreg [dreg:$0x2];
	[bflag:$0x3] =	sbarrier.arrive $0xFFFF;
	s2 =	simm.s32 @!p0 $0x1C02  }
0xe6: {  	[timem:s3], [sflag:s2] =	dma.local @!p0 [hbm:s0], s1  }
0xe7: {  	s0 =	simm.s32 @!p0 $0x2  }
0xe8: {  	_ =	swait.ge @!p0 [sflag:s0], s1  }
0xe9: {  	s1 =	ssub.s32 @!p0 $0x0, s1;
	[sflag:s0] =	ssyncset.done @!p0 $0x0  }
0xea: {  	[sflag:s0] =	ssyncadd.s32 @!p0 s1  }
0xeb: {  	[bflag:$0x3] =	sbarrier.arrive $0xFFFF  }
0xec: {  	_ =	shalt  }

</sc_bundles>
